<compile_context>
chip_gen: v7x
topology: tpu7x:2x2x1
jax: 0.10.2.dev20260603
libtpu: 0.0.44.dev20260713+nightly
codegen_flags: <defaults>
</compile_context>

<pallas_src>
import functools

import jax
import jax.numpy as jnp
from jax import lax
from jax.experimental import pallas as pl
from jax.experimental.pallas import tpu as pltpu
from jax.experimental.pallas import tpu_sc as plsc

NUM_USERS = 1000000
NUM_ITEMS = 100000
NUM_FEATURES = 100000
EMBED_DIM = 128
BATCH = 16384
N_FIELDS = 26

NC = 2
NS = 16
NW = NC * NS

CHUNK = 256
NBUF = 3
BAT_W = BATCH // NW
HALVES = BAT_W // CHUNK
U_OFF = 0
I_OFF = BAT_W
F_OFF = 2 * BAT_W
IDX_WORDS = (2 + N_FIELDS) * BAT_W
UC = BAT_W // CHUNK
NV = 2 * UC + N_FIELDS * HALVES
PREFIX = 6


def _lookup_kernel(user_ids, item_ids, feature_ids_t,
                   user_table, item_table, feature_table):
    mesh = plsc.VectorSubcoreMesh(core_axis_name="c", subcore_axis_name="s")

    @functools.partial(
        pl.kernel,
        mesh=mesh,
        out_type=(
            jax.ShapeDtypeStruct((BATCH, EMBED_DIM), jnp.float32),
            jax.ShapeDtypeStruct((BATCH, EMBED_DIM), jnp.float32),
            jax.ShapeDtypeStruct((N_FIELDS * BATCH, EMBED_DIM), jnp.float32),
        ),
        scratch_types=[
            pltpu.VMEM((IDX_WORDS,), jnp.int32),
            pltpu.VMEM((CHUNK, EMBED_DIM), jnp.float32),
            pltpu.VMEM((CHUNK, EMBED_DIM), jnp.float32),
            pltpu.VMEM((CHUNK, EMBED_DIM), jnp.float32),
            pltpu.SemaphoreType.DMA,
            pltpu.SemaphoreType.DMA,
            pltpu.SemaphoreType.DMA,
            pltpu.SemaphoreType.DMA,
            pltpu.SemaphoreType.DMA,
            pltpu.SemaphoreType.DMA,
            pltpu.SemaphoreType.DMA,
        ],
    )
    def k(uids, iids, fids_t, utab, itab, ftab, uout, iout, fout,
          idx_v, rows0, rows1, rows2, g0, g1, g2, o0, o1, o2, psem):
        wid = lax.axis_index("s") * NC + lax.axis_index("c")
        rows = (rows0, rows1, rows2)
        gsem = (g0, g1, g2)
        osem = (o0, o1, o2)
        wbase = wid * BAT_W

        def pre_descs():
            descs = [
                (uids.at[pl.ds(wbase, BAT_W)],
                 idx_v.at[pl.ds(U_OFF, BAT_W)]),
                (iids.at[pl.ds(wbase, BAT_W)],
                 idx_v.at[pl.ds(I_OFF, BAT_W)]),
            ]
            for f in range(N_FIELDS):
                descs.append((fids_t.at[f, pl.ds(wbase, BAT_W)],
                              idx_v.at[pl.ds(F_OFF + f * BAT_W, BAT_W)]))
            return descs

        for src, dst in pre_descs():
            pltpu.async_copy(src, dst, psem)

        def wait_prefetch(n_slices):
            src, dst = pre_descs()[0]
            for _ in range(n_slices):
                pltpu.make_async_copy(src, dst, psem).wait()

        def fspec(fc):
            f = fc // HALVES
            h = fc % HALVES
            return (ftab, idx_v.at[pl.ds(F_OFF + fc * CHUNK, CHUNK)],
                    fout.at[pl.ds(f * BATCH + wbase + h * CHUNK, CHUNK)])

        def spec(vc):
            if vc < UC:
                return (utab, idx_v.at[pl.ds(U_OFF + vc * CHUNK, CHUNK)],
                        uout.at[pl.ds(wbase + vc * CHUNK, CHUNK)])
            if vc < 2 * UC:
                c = vc - UC
                return (itab, idx_v.at[pl.ds(I_OFF + c * CHUNK, CHUNK)],
                        iout.at[pl.ds(wbase + c * CHUNK, CHUNK)])
            return fspec(vc - 2 * UC)

        def start_g(sp, b):
            tab, idx, _ = sp
            pltpu.async_copy(tab.at[idx], rows[b], gsem[b])

        def wait_g(sp, b):
            tab, idx, _ = sp
            pltpu.make_async_copy(tab.at[idx], rows[b], gsem[b]).wait()

        def start_o(sp, b):
            _, _, out = sp
            pltpu.async_copy(rows[b], out, osem[b])

        def wait_o(sp, b):
            _, _, out = sp
            pltpu.make_async_copy(rows[b], out, osem[b]).wait()

        wait_prefetch(2)
        start_g(spec(0), 0)
        start_g(spec(1), 1)

        for vc in range(PREFIX):
            b = vc % NBUF
            if vc == 2:
                wait_prefetch(N_FIELDS)
            wait_g(spec(vc), b)
            start_o(spec(vc), b)
            if vc > 0:
                wait_o(spec(vc - 1), (vc - 1) % NBUF)
            start_g(spec(vc + 2), (vc + 2) % NBUF)

        ngroups = (NV - PREFIX - 2) // NBUF

        def body(g, carry):
            for b in range(NBUF):
                fc = (PREFIX - 2 * UC) + g * NBUF + b
                wait_g(fspec(fc), b)
                start_o(fspec(fc), b)
                wait_o(fspec(fc - 1), (b + 2) % NBUF)
                start_g(fspec(fc + 2), (b + 2) % NBUF)
            return carry

        lax.fori_loop(0, ngroups, body, 0)

        for vc in range(PREFIX + ngroups * NBUF, NV):
            b = vc % NBUF
            wait_g(spec(vc), b)
            start_o(spec(vc), b)
            wait_o(spec(vc - 1), (vc - 1) % NBUF)
        wait_o(spec(NV - 1), (NV - 1) % NBUF)

    return k(user_ids, item_ids, feature_ids_t,
             user_table, item_table, feature_table)


def kernel(user_ids, item_ids, feature_ids, user_table, item_table,
           feature_table):
    user_emb, item_emb, feat_fmajor = _lookup_kernel(
        user_ids, item_ids, jnp.transpose(feature_ids),
        user_table, item_table, feature_table)
    feat_emb = feat_fmajor.reshape(N_FIELDS, BATCH, EMBED_DIM)
    return (user_emb, item_emb, jnp.transpose(feat_emb, (1, 0, 2)))

# --- scband reference (transcript-rebuilt; emitter-appended) ---
"""Pipeline reference for scband-embedding-layer-59682865545623 (READ-ONLY COPY).

The authoritative reference and input builder live on the scoring server;
editing this copy changes nothing except your own understanding.
"""

import jax, jax.numpy as jnp
import numpy as np

NUM_USERS = 1000000
NUM_ITEMS = 100000
NUM_FEATURES = 100000
EMBED_DIM = 128
BATCH = 16384
N_FIELDS = 26

def _xavier_uniform(key, shape):
    fan_in, fan_out = shape[0], shape[1]
    a = float(np.sqrt(6.0 / (fan_in + fan_out)))
    return jax.random.uniform(key, shape, dtype=jnp.float32, minval=-a, maxval=a)

def setup_inputs(seed: int = 0) -> dict:
    key = jax.random.key(seed)
    k1, k2, k3, k4, k5, k6 = jax.random.split(key, 6)
    user_ids = jax.random.randint(k1, (BATCH,), 0, NUM_USERS, dtype=jnp.int64 if jax.config.jax_enable_x64 else jnp.int32).astype(jnp.int32)
    item_ids = jax.random.randint(k2, (BATCH,), 0, NUM_ITEMS).astype(jnp.int32)
    feature_ids = jax.random.randint(k3, (BATCH, N_FIELDS), 0, NUM_FEATURES).astype(jnp.int32)
    user_table = _xavier_uniform(k4, (NUM_USERS, EMBED_DIM))
    item_table = _xavier_uniform(k5, (NUM_ITEMS, EMBED_DIM))
    feature_table = _xavier_uniform(k6, (NUM_FEATURES, EMBED_DIM))
    return {"user_ids": user_ids, "item_ids": item_ids, "feature_ids": feature_ids,
            "user_table": user_table, "item_table": item_table, "feature_table": feature_table}

def reference(user_ids, item_ids, feature_ids, user_table, item_table, feature_table):
    user_emb = jnp.take(user_table, user_ids, axis=0)
    item_emb = jnp.take(item_table, item_ids, axis=0)
    feature_emb = jnp.take(feature_table, feature_ids, axis=0)
    return (user_emb, item_emb, feature_emb)

if __name__ == "__main__":
    import jax
    _d = setup_inputs()
    print(jax.jit(kernel)(*tuple(_d.values())))

</pallas_src>

<mosaic_0001>
#map = affine_map<(d0, d1) -> (0)>
#map1 = affine_map<(d0, d1) -> (0, 0)>
module attributes {stable_mosaic.version = 14 : i64} {
  func.func @k(%arg0: i32, %arg1: i32, %arg2: memref<16384xi32, #tpu.memory_space<hbm>>, %arg3: memref<16384xi32, #tpu.memory_space<hbm>>, %arg4: memref<26x16384xi32, #tpu.memory_space<hbm>>, %arg5: memref<1000000x128xf32, #tpu.memory_space<hbm>>, %arg6: memref<100000x128xf32, #tpu.memory_space<hbm>>, %arg7: memref<100000x128xf32, #tpu.memory_space<hbm>>, %arg8: memref<16384x128xf32, #tpu.memory_space<hbm>>, %arg9: memref<16384x128xf32, #tpu.memory_space<hbm>>, %arg10: memref<425984x128xf32, #tpu.memory_space<hbm>>, %arg11: memref<14336xi32, #tpu.memory_space<vmem>>, %arg12: memref<256x128xf32, #tpu.memory_space<vmem>>, %arg13: memref<256x128xf32, #tpu.memory_space<vmem>>, %arg14: memref<256x128xf32, #tpu.memory_space<vmem>>, %arg15: memref<!tpu.dma_semaphore, #tpu.memory_space<semaphore_mem>>, %arg16: memref<!tpu.dma_semaphore, #tpu.memory_space<semaphore_mem>>, %arg17: memref<!tpu.dma_semaphore, #tpu.memory_space<semaphore_mem>>, %arg18: memref<!tpu.dma_semaphore, #tpu.memory_space<semaphore_mem>>, %arg19: memref<!tpu.dma_semaphore, #tpu.memory_space<semaphore_mem>>, %arg20: memref<!tpu.dma_semaphore, #tpu.memory_space<semaphore_mem>>, %arg21: memref<!tpu.dma_semaphore, #tpu.memory_space<semaphore_mem>>) attributes {dimension_semantics = [#tpu.dimension_semantics<core_parallel>, #tpu.dimension_semantics<subcore_parallel>], iteration_bounds = array<i64: 2, 16>, scalar_prefetch = 0 : i64, scratch_operands = 11 : i64, tpu.core_type = #tpu.core_type<sc_vector_subcore>, window_params = [{transform_indices = #map}, {transform_indices = #map}, {transform_indices = #map1}, {transform_indices = #map1}, {transform_indices = #map1}, {transform_indices = #map1}, {transform_indices = #map1}, {transform_indices = #map1}, {transform_indices = #map1}]} {
    %mul3A = arith.constant 2 : i32
    %mul3A_0 = arith.muli %arg1, %mul3A : i32
    %add3A = arith.addi %mul3A_0, %arg0 : i32
    %mul3A_1 = arith.constant 512 : i32
    %mul3A_2 = arith.muli %add3A, %mul3A_1 : i32
    %dma_start3A = arith.constant 0 : i32
    %dma_start3A_3 = tpu.memref_slice %arg11[%dma_start3A] : memref<14336xi32, #tpu.memory_space<vmem>> -> memref<512xi32, #tpu.memory_space<vmem>>
    %dma_start3A_4 = tpu.memref_slice %arg2[%mul3A_2] : memref<16384xi32, #tpu.memory_space<hbm>> -> memref<512xi32, #tpu.memory_space<hbm>>
    %dma_start3A_5 = arith.constant 0 : i32
    %dma_start3A_6 = tpu.memref_slice %arg11[%dma_start3A_5] : memref<14336xi32, #tpu.memory_space<vmem>> -> memref<512xi32, #tpu.memory_space<vmem>>
    %dma_start3A_7 = tpu.memref_slice %arg2[%mul3A_2] : memref<16384xi32, #tpu.memory_space<hbm>> -> memref<512xi32, #tpu.memory_space<hbm>>
    tpu.enqueue_dma source(%dma_start3A_7 : memref<512xi32, #tpu.memory_space<hbm>>) target(%dma_start3A_6 : memref<512xi32, #tpu.memory_space<vmem>>) target_semaphore(%arg21 : memref<!tpu.dma_semaphore, #tpu.memory_space<semaphore_mem>>)
    %dma_start3A_8 = arith.constant 512 : i32
    %dma_start3A_9 = tpu.memref_slice %arg11[%dma_start3A_8] : memref<14336xi32, #tpu.memory_space<vmem>> -> memref<512xi32, #tpu.memory_space<vmem>>
    %dma_start3A_10 = tpu.memref_slice %arg3[%mul3A_2] : memref<16384xi32, #tpu.memory_space<hbm>> -> memref<512xi32, #tpu.memory_space<hbm>>
    %dma_start3A_11 = arith.constant 512 : i32
    %dma_start3A_12 = tpu.memref_slice %arg11[%dma_start3A_11] : memref<14336xi32, #tpu.memory_space<vmem>> -> memref<512xi32, #tpu.memory_space<vmem>>
    %dma_start3A_13 = tpu.memref_slice %arg3[%mul3A_2] : memref<16384xi32, #tpu.memory_space<hbm>> -> memref<512xi32, #tpu.memory_space<hbm>>
    tpu.enqueue_dma source(%dma_start3A_13 : memref<512xi32, #tpu.memory_space<hbm>>) target(%dma_start3A_12 : memref<512xi32, #tpu.memory_space<vmem>>) target_semaphore(%arg21 : memref<!tpu.dma_semaphore, #tpu.memory_space<semaphore_mem>>)
    %dma_start3A_14 = arith.constant 0 : i32
    %dma_start3A_15 = arith.constant 1024 : i32
    %dma_start3A_16 = tpu.memref_slice %arg11[%dma_start3A_15] : memref<14336xi32, #tpu.memory_space<vmem>> -> memref<512xi32, #tpu.memory_space<vmem>>
    %dma_start3A_17 = tpu.memref_slice %arg4[%dma_start3A_14, %mul3A_2] : memref<26x16384xi32, #tpu.memory_space<hbm>> -> memref<1x512xi32, #tpu.memory_space<hbm>>
    %dma_start3A_18 = tpu.memref_squeeze %dma_start3A_17 : memref<1x512xi32, #tpu.memory_space<hbm>> -> memref<512xi32, #tpu.memory_space<hbm>>
    %dma_start3A_19 = arith.constant 1024 : i32
    %dma_start3A_20 = tpu.memref_slice %arg11[%dma_start3A_19] : memref<14336xi32, #tpu.memory_space<vmem>> -> memref<512xi32, #tpu.memory_space<vmem>>
    %dma_start3A_21 = tpu.memref_slice %arg4[%dma_start3A_14, %mul3A_2] : memref<26x16384xi32, #tpu.memory_space<hbm>> -> memref<1x512xi32, #tpu.memory_space<hbm>>
    %dma_start3A_22 = tpu.memref_squeeze %dma_start3A_21 : memref<1x512xi32, #tpu.memory_space<hbm>> -> memref<512xi32, #tpu.memory_space<hbm>>
    tpu.enqueue_dma source(%dma_start3A_22 : memref<512xi32, #tpu.memory_space<hbm>>) target(%dma_start3A_20 : memref<512xi32, #tpu.memory_space<vmem>>) target_semaphore(%arg21 : memref<!tpu.dma_semaphore, #tpu.memory_space<semaphore_mem>>)
    %dma_start3A_23 = arith.constant 1 : i32
    %dma_start3A_24 = arith.constant 1536 : i32
    %dma_start3A_25 = tpu.memref_slice %arg11[%dma_start3A_24] : memref<14336xi32, #tpu.memory_space<vmem>> -> memref<512xi32, #tpu.memory_space<vmem>>
    %dma_start3A_26 = tpu.memref_slice %arg4[%dma_start3A_23, %mul3A_2] : memref<26x16384xi32, #tpu.memory_space<hbm>> -> memref<1x512xi32, #tpu.memory_space<hbm>>
    %dma_start3A_27 = tpu.memref_squeeze %dma_start3A_26 : memref<1x512xi32, #tpu.memory_space<hbm>> -> memref<512xi32, #tpu.memory_space<hbm>>
    %dma_start3A_28 = arith.constant 1536 : i32
    %dma_start3A_29 = tpu.memref_slice %arg11[%dma_start3A_28] : memref<14336xi32, #tpu.memory_space<vmem>> -> memref<512xi32, #tpu.memory_space<vmem>>
    %dma_start3A_30 = tpu.memref_slice %arg4[%dma_start3A_23, %mul3A_2] : memref<26x16384xi32, #tpu.memory_space<hbm>> -> memref<1x512xi32, #tpu.memory_space<hbm>>
    %dma_start3A_31 = tpu.memref_squeeze %dma_start3A_30 : memref<1x512xi32, #tpu.memory_space<hbm>> -> memref<512xi32, #tpu.memory_space<hbm>>
    tpu.enqueue_dma source(%dma_start3A_31 : memref<512xi32, #tpu.memory_space<hbm>>) target(%dma_start3A_29 : memref<512xi32, #tpu.memory_space<vmem>>) target_semaphore(%arg21 : memref<!tpu.dma_semaphore, #tpu.memory_space<semaphore_mem>>)
    %dma_start3A_32 = arith.constant 2 : i32
    %dma_start3A_33 = arith.constant 2048 : i32
    %dma_start3A_34 = tpu.memref_slice %arg11[%dma_start3A_33] : memref<14336xi32, #tpu.memory_space<vmem>> -> memref<512xi32, #tpu.memory_space<vmem>>
    %dma_start3A_35 = tpu.memref_slice %arg4[%dma_start3A_32, %mul3A_2] : memref<26x16384xi32, #tpu.memory_space<hbm>> -> memref<1x512xi32, #tpu.memory_space<hbm>>
    %dma_start3A_36 = tpu.memref_squeeze %dma_start3A_35 : memref<1x512xi32, #tpu.memory_space<hbm>> -> memref<512xi32, #tpu.memory_space<hbm>>
    %dma_start3A_37 = arith.constant 2048 : i32
    %dma_start3A_38 = tpu.memref_slice %arg11[%dma_start3A_37] : memref<14336xi32, #tpu.memory_space<vmem>> -> memref<512xi32, #tpu.memory_space<vmem>>
    %dma_start3A_39 = tpu.memref_slice %arg4[%dma_start3A_32, %mul3A_2] : memref<26x16384xi32, #tpu.memory_space<hbm>> -> memref<1x512xi32, #tpu.memory_space<hbm>>
    %dma_start3A_40 = tpu.memref_squeeze %dma_start3A_39 : memref<1x512xi32, #tpu.memory_space<hbm>> -> memref<512xi32, #tpu.memory_space<hbm>>
    tpu.enqueue_dma source(%dma_start3A_40 : memref<512xi32, #tpu.memory_space<hbm>>) target(%dma_start3A_38 : memref<512xi32, #tpu.memory_space<vmem>>) target_semaphore(%arg21 : memref<!tpu.dma_semaphore, #tpu.memory_space<semaphore_mem>>)
    %dma_start3A_41 = arith.constant 3 : i32
    %dma_start3A_42 = arith.constant 2560 : i32
    %dma_start3A_43 = tpu.memref_slice %arg11[%dma_start3A_42] : memref<14336xi32, #tpu.memory_space<vmem>> -> memref<512xi32, #tpu.memory_space<vmem>>
    %dma_start3A_44 = tpu.memref_slice %arg4[%dma_start3A_41, %mul3A_2] : memref<26x16384xi32, #tpu.memory_space<hbm>> -> memref<1x512xi32, #tpu.memory_space<hbm>>
    %dma_start3A_45 = tpu.memref_squeeze %dma_start3A_44 : memref<1x512xi32, #tpu.memory_space<hbm>> -> memref<512xi32, #tpu.memory_space<hbm>>
    %dma_start3A_46 = arith.constant 2560 : i32
    %dma_start3A_47 = tpu.memref_slice %arg11[%dma_start3A_46] : memref<14336xi32, #tpu.memory_space<vmem>> -> memref<512xi32, #tpu.memory_space<vmem>>
    %dma_start3A_48 = tpu.memref_slice %arg4[%dma_start3A_41, %mul3A_2] : memref<26x16384xi32, #tpu.memory_space<hbm>> -> memref<1x512xi32, #tpu.memory_space<hbm>>
    %dma_start3A_49 = tpu.memref_squeeze %dma_start3A_48 : memref<1x512xi32, #tpu.memory_space<hbm>> -> memref<512xi32, #tpu.memory_space<hbm>>
    tpu.enqueue_dma source(%dma_start3A_49 : memref<512xi32, #tpu.memory_space<hbm>>) target(%dma_start3A_47 : memref<512xi32, #tpu.memory_space<vmem>>) target_semaphore(%arg21 : memref<!tpu.dma_semaphore, #tpu.memory_space<semaphore_mem>>)
    %dma_start3A_50 = arith.constant 4 : i32
    %dma_start3A_51 = arith.constant 3072 : i32
    %dma_start3A_52 = tpu.memref_slice %arg11[%dma_start3A_51] : memref<14336xi32, #tpu.memory_space<vmem>> -> memref<512xi32, #tpu.memory_space<vmem>>
    %dma_start3A_53 = tpu.memref_slice %arg4[%dma_start3A_50, %mul3A_2] : memref<26x16384xi32, #tpu.memory_space<hbm>> -> memref<1x512xi32, #tpu.memory_space<hbm>>
    %dma_start3A_54 = tpu.memref_squeeze %dma_start3A_53 : memref<1x512xi32, #tpu.memory_space<hbm>> -> memref<512xi32, #tpu.memory_space<hbm>>
    %dma_start3A_55 = arith.constant 3072 : i32
    %dma_start3A_56 = tpu.memref_slice %arg11[%dma_start3A_55] : memref<14336xi32, #tpu.memory_space<vmem>> -> memref<512xi32, #tpu.memory_space<vmem>>
    %dma_start3A_57 = tpu.memref_slice %arg4[%dma_start3A_50, %mul3A_2] : memref<26x16384xi32, #tpu.memory_space<hbm>> -> memref<1x512xi32, #tpu.memory_space<hbm>>
    %dma_start3A_58 = tpu.memref_squeeze %dma_start3A_57 : memref<1x512xi32, #tpu.memory_space<hbm>> -> memref<512xi32, #tpu.memory_space<hbm>>
    tpu.enqueue_dma source(%dma_start3A_58 : memref<512xi32, #tpu.memory_space<hbm>>) target(%dma_start3A_56 : memref<512xi32, #tpu.memory_space<vmem>>) target_semaphore(%arg21 : memref<!tpu.dma_semaphore, #tpu.memory_space<semaphore_mem>>)
    %dma_start3A_59 = arith.constant 5 : i32
    %dma_start3A_60 = arith.constant 3584 : i32
    %dma_start3A_61 = tpu.memref_slice %arg11[%dma_start3A_60] : memref<14336xi32, #tpu.memory_space<vmem>> -> memref<512xi32, #tpu.memory_space<vmem>>
    %dma_start3A_62 = tpu.memref_slice %arg4[%dma_start3A_59, %mul3A_2] : memref<26x16384xi32, #tpu.memory_space<hbm>> -> memref<1x512xi32, #tpu.memory_space<hbm>>
    %dma_start3A_63 = tpu.memref_squeeze %dma_start3A_62 : memref<1x512xi32, #tpu.memory_space<hbm>> -> memref<512xi32, #tpu.memory_space<hbm>>
    %dma_start3A_64 = arith.constant 3584 : i32
    %dma_start3A_65 = tpu.memref_slice %arg11[%dma_start3A_64] : memref<14336xi32, #tpu.memory_space<vmem>> -> memref<512xi32, #tpu.memory_space<vmem>>
    %dma_start3A_66 = tpu.memref_slice %arg4[%dma_start3A_59, %mul3A_2] : memref<26x16384xi32, #tpu.memory_space<hbm>> -> memref<1x512xi32, #tpu.memory_space<hbm>>
    %dma_start3A_67 = tpu.memref_squeeze %dma_start3A_66 : memref<1x512xi32, #tpu.memory_space<hbm>> -> memref<512xi32, #tpu.memory_space<hbm>>
    tpu.enqueue_dma source(%dma_start3A_67 : memref<512xi32, #tpu.memory_space<hbm>>) target(%dma_start3A_65 : memref<512xi32, #tpu.memory_space<vmem>>) target_semaphore(%arg21 : memref<!tpu.dma_semaphore, #tpu.memory_space<semaphore_mem>>)
    %dma_start3A_68 = arith.constant 6 : i32
    %dma_start3A_69 = arith.constant 4096 : i32
    %dma_start3A_70 = tpu.memref_slice %arg11[%dma_start3A_69] : memref<14336xi32, #tpu.memory_space<vmem>> -> memref<512xi32, #tpu.memory_space<vmem>>
    %dma_start3A_71 = tpu.memref_slice %arg4[%dma_start3A_68, %mul3A_2] : memref<26x16384xi32, #tpu.memory_space<hbm>> -> memref<1x512xi32, #tpu.memory_space<hbm>>
    %dma_start3A_72 = tpu.memref_squeeze %dma_start3A_71 : memref<1x512xi32, #tpu.memory_space<hbm>> -> memref<512xi32, #tpu.memory_space<hbm>>
    %dma_start3A_73 = arith.constant 4096 : i32
    %dma_start3A_74 = tpu.memref_slice %arg11[%dma_start3A_73] : memref<14336xi32, #tpu.memory_space<vmem>> -> memref<512xi32, #tpu.memory_space<vmem>>
    %dma_start3A_75 = tpu.memref_slice %arg4[%dma_start3A_68, %mul3A_2] : memref<26x16384xi32, #tpu.memory_space<hbm>> -> memref<1x512xi32, #tpu.memory_space<hbm>>
    %dma_start3A_76 = tpu.memref_squeeze %dma_start3A_75 : memref<1x512xi32, #tpu.memory_space<hbm>> -> memref<512xi32, #tpu.memory_space<hbm>>
    tpu.enqueue_dma source(%dma_start3A_76 : memref<512xi32, #tpu.memory_space<hbm>>) target(%dma_start3A_74 : memref<512xi32, #tpu.memory_space<vmem>>) target_semaphore(%arg21 : memref<!tpu.dma_semaphore, #tpu.memory_space<semaphore_mem>>)
    %dma_start3A_77 = arith.constant 7 : i32
    %dma_start3A_78 = arith.constant 4608 : i32
    %dma_start3A_79 = tpu.memref_slice %arg11[%dma_start3A_78] : memref<14336xi32, #tpu.memory_space<vmem>> -> memref<512xi32, #tpu.memory_space<vmem>>
    %dma_start3A_80 = tpu.memref_slice %arg4[%dma_start3A_77, %mul3A_2] : memref<26x16384xi32, #tpu.memory_space<hbm>> -> memref<1x512xi32, #tpu.memory_space<hbm>>
    %dma_start3A_81 = tpu.memref_squeeze %dma_start3A_80 : memref<1x512xi32, #tpu.memory_space<hbm>> -> memref<512xi32, #tpu.memory_space<hbm>>
    %dma_start3A_82 = arith.constant 4608 : i32
    %dma_start3A_83 = tpu.memref_slice %arg11[%dma_start3A_82] : memref<14336xi32, #tpu.memory_space<vmem>> -> memref<512xi32, #tpu.memory_space<vmem>>
    %dma_start3A_84 = tpu.memref_slice %arg4[%dma_start3A_77, %mul3A_2] : memref<26x16384xi32, #tpu.memory_space<hbm>> -> memref<1x512xi32, #tpu.memory_space<hbm>>
    %dma_start3A_85 = tpu.memref_squeeze %dma_start3A_84 : memref<1x512xi32, #tpu.memory_space<hbm>> -> memref<512xi32, #tpu.memory_space<hbm>>
    tpu.enqueue_dma source(%dma_start3A_85 : memref<512xi32, #tpu.memory_space<hbm>>) target(%dma_start3A_83 : memref<512xi32, #tpu.memory_space<vmem>>) target_semaphore(%arg21 : memref<!tpu.dma_semaphore, #tpu.memory_space<semaphore_mem>>)
    %dma_start3A_86 = arith.constant 8 : i32
    %dma_start3A_87 = arith.constant 5120 : i32
    %dma_start3A_88 = tpu.memref_slice %arg11[%dma_start3A_87] : memref<14336xi32, #tpu.memory_space<vmem>> -> memref<512xi32, #tpu.memory_space<vmem>>
    %dma_start3A_89 = tpu.memref_slice %arg4[%dma_start3A_86, %mul3A_2] : memref<26x16384xi32, #tpu.memory_space<hbm>> -> memref<1x512xi32, #tpu.memory_space<hbm>>
    %dma_start3A_90 = tpu.memref_squeeze %dma_start3A_89 : memref<1x512xi32, #tpu.memory_space<hbm>> -> memref<512xi32, #tpu.memory_space<hbm>>
    %dma_start3A_91 = arith.constant 5120 : i32
    %dma_start3A_92 = tpu.memref_slice %arg11[%dma_start3A_91] : memref<14336xi32, #tpu.memory_space<vmem>> -> memref<512xi32, #tpu.memory_space<vmem>>
    %dma_start3A_93 = tpu.memref_slice %arg4[%dma_start3A_86, %mul3A_2] : memref<26x16384xi32, #tpu.memory_space<hbm>> -> memref<1x512xi32, #tpu.memory_space<hbm>>
    %dma_start3A_94 = tpu.memref_squeeze %dma_start3A_93 : memref<1x512xi32, #tpu.memory_space<hbm>> -> memref<512xi32, #tpu.memory_space<hbm>>
    tpu.enqueue_dma source(%dma_start3A_94 : memref<512xi32, #tpu.memory_space<hbm>>) target(%dma_start3A_92 : memref<512xi32, #tpu.memory_space<vmem>>) target_semaphore(%arg21 : memref<!tpu.dma_semaphore, #tpu.memory_space<semaphore_mem>>)
    %dma_start3A_95 = arith.constant 9 : i32
    %dma_start3A_96 = arith.constant 5632 : i32
    %dma_start3A_97 = tpu.memref_slice %arg11[%dma_start3A_96] : memref<14336xi32, #tpu.memory_space<vmem>> -> memref<512xi32, #tpu.memory_space<vmem>>
    %dma_start3A_98 = tpu.memref_slice %arg4[%dma_start3A_95, %mul3A_2] : memref<26x16384xi32, #tpu.memory_space<hbm>> -> memref<1x512xi32, #tpu.memory_space<hbm>>
    %dma_start3A_99 = tpu.memref_squeeze %dma_start3A_98 : memref<1x512xi32, #tpu.memory_space<hbm>> -> memref<512xi32, #tpu.memory_space<hbm>>
    %dma_start3A_100 = arith.constant 5632 : i32
    %dma_start3A_101 = tpu.memref_slice %arg11[%dma_start3A_100] : memref<14336xi32, #tpu.memory_space<vmem>> -> memref<512xi32, #tpu.memory_space<vmem>>
    %dma_start3A_102 = tpu.memref_slice %arg4[%dma_start3A_95, %mul3A_2] : memref<26x16384xi32, #tpu.memory_space<hbm>> -> memref<1x512xi32, #tpu.memory_space<hbm>>
    %dma_start3A_103 = tpu.memref_squeeze %dma_start3A_102 : memref<1x512xi32, #tpu.memory_space<hbm>> -> memref<512xi32, #tpu.memory_space<hbm>>
    tpu.enqueue_dma source(%dma_start3A_103 : memref<512xi32, #tpu.memory_space<hbm>>) target(%dma_start3A_101 : memref<512xi32, #tpu.memory_space<vmem>>) target_semaphore(%arg21 : memref<!tpu.dma_semaphore, #tpu.memory_space<semaphore_mem>>)
    %dma_start3A_104 = arith.constant 10 : i32
    %dma_start3A_105 = arith.constant 6144 : i32
    %dma_start3A_106 = tpu.memref_slice %arg11[%dma_start3A_105] : memref<14336xi32, #tpu.memory_space<vmem>> -> memref<512xi32, #tpu.memory_space<vmem>>
    %dma_start3A_107 = tpu.memref_slice %arg4[%dma_start3A_104, %mul3A_2] : memref<26x16384xi32, #tpu.memory_space<hbm>> -> memref<1x512xi32, #tpu.memory_space<hbm>>
    %dma_start3A_108 = tpu.memref_squeeze %dma_start3A_107 : memref<1x512xi32, #tpu.memory_space<hbm>> -> memref<512xi32, #tpu.memory_space<hbm>>
    %dma_start3A_109 = arith.constant 6144 : i32
    %dma_start3A_110 = tpu.memref_slice %arg11[%dma_start3A_109] : memref<14336xi32, #tpu.memory_space<vmem>> -> memref<512xi32, #tpu.memory_space<vmem>>
    %dma_start3A_111 = tpu.memref_slice %arg4[%dma_start3A_104, %mul3A_2] : memref<26x16384xi32, #tpu.memory_space<hbm>> -> memref<1x512xi32, #tpu.memory_space<hbm>>
    %dma_start3A_112 = tpu.memref_squeeze %dma_start3A_111 : memref<1x512xi32, #tpu.memory_space<hbm>> -> memref<512xi32, #tpu.memory_space<hbm>>
    tpu.enqueue_dma source(%dma_start3A_112 : memref<512xi32, #tpu.memory_space<hbm>>) target(%dma_start3A_110 : memref<512xi32, #tpu.memory_space<vmem>>) target_semaphore(%arg21 : memref<!tpu.dma_semaphore, #tpu.memory_space<semaphore_mem>>)
    %dma_start3A_113 = arith.constant 11 : i32
    %dma_start3A_114 = arith.constant 6656 : i32
    %dma_start3A_115 = tpu.memref_slice %arg11[%dma_start3A_114] : memref<14336xi32, #tpu.memory_space<vmem>> -> memref<512xi32, #tpu.memory_space<vmem>>
    %dma_start3A_116 = tpu.memref_slice %arg4[%dma_start3A_113, %mul3A_2] : memref<26x16384xi32, #tpu.memory_space<hbm>> -> memref<1x512xi32, #tpu.memory_space<hbm>>
    %dma_start3A_117 = tpu.memref_squeeze %dma_start3A_116 : memref<1x512xi32, #tpu.memory_space<hbm>> -> memref<512xi32, #tpu.memory_space<hbm>>
    %dma_start3A_118 = arith.constant 6656 : i32
    %dma_start3A_119 = tpu.memref_slice %arg11[%dma_start3A_118] : memref<14336xi32, #tpu.memory_space<vmem>> -> memref<512xi32, #tpu.memory_space<vmem>>
    %dma_start3A_120 = tpu.memref_slice %arg4[%dma_start3A_113, %mul3A_2] : memref<26x16384xi32, #tpu.memory_space<hbm>> -> memref<1x512xi32, #tpu.memory_space<hbm>>
    %dma_start3A_121 = tpu.memref_squeeze %dma_start3A_120 : memref<1x512xi32, #tpu.memory_space<hbm>> -> memref<512xi32, #tpu.memory_space<hbm>>
    tpu.enqueue_dma source(%dma_start3A_121 : memref<512xi32, #tpu.memory_space<hbm>>) target(%dma_start3A_119 : memref<512xi32, #tpu.memory_space<vmem>>) target_semaphore(%arg21 : memref<!tpu.dma_semaphore, #tpu.memory_space<semaphore_mem>>)
    %dma_start3A_122 = arith.constant 12 : i32
    %dma_start3A_123 = arith.constant 7168 : i32
    %dma_start3A_124 = tpu.memref_slice %arg11[%dma_start3A_123] : memref<14336xi32, #tpu.memory_space<vmem>> -> memref<512xi32, #tpu.memory_space<vmem>>
    %dma_start3A_125 = tpu.memref_slice %arg4[%dma_start3A_122, %mul3A_2] : memref<26x16384xi32, #tpu.memory_space<hbm>> -> memref<1x512xi32, #tpu.memory_space<hbm>>
    %dma_start3A_126 = tpu.memref_squeeze %dma_start3A_125 : memref<1x512xi32, #tpu.memory_space<hbm>> -> memref<512xi32, #tpu.memory_space<hbm>>
    %dma_start3A_127 = arith.constant 7168 : i32
    %dma_start3A_128 = tpu.memref_slice %arg11[%dma_start3A_127] : memref<14336xi32, #tpu.memory_space<vmem>> -> memref<512xi32, #tpu.memory_space<vmem>>
    %dma_start3A_129 = tpu.memref_slice %arg4[%dma_start3A_122, %mul3A_2] : memref<26x16384xi32, #tpu.memory_space<hbm>> -> memref<1x512xi32, #tpu.memory_space<hbm>>
    %dma_start3A_130 = tpu.memref_squeeze %dma_start3A_129 : memref<1x512xi32, #tpu.memory_space<hbm>> -> memref<512xi32, #tpu.memory_space<hbm>>
    tpu.enqueue_dma source(%dma_start3A_130 : memref<512xi32, #tpu.memory_space<hbm>>) target(%dma_start3A_128 : memref<512xi32, #tpu.memory_space<vmem>>) target_semaphore(%arg21 : memref<!tpu.dma_semaphore, #tpu.memory_space<semaphore_mem>>)
    %dma_start3A_131 = arith.constant 13 : i32
    %dma_start3A_132 = arith.constant 7680 : i32
    %dma_start3A_133 = tpu.memref_slice %arg11[%dma_start3A_132] : memref<14336xi32, #tpu.memory_space<vmem>> -> memref<512xi32, #tpu.memory_space<vmem>>
    %dma_start3A_134 = tpu.memref_slice %arg4[%dma_start3A_131, %mul3A_2] : memref<26x16384xi32, #tpu.memory_space<hbm>> -> memref<1x512xi32, #tpu.memory_space<hbm>>
    %dma_start3A_135 = tpu.memref_squeeze %dma_start3A_134 : memref<1x512xi32, #tpu.memory_space<hbm>> -> memref<512xi32, #tpu.memory_space<hbm>>
    %dma_start3A_136 = arith.constant 7680 : i32
    %dma_start3A_137 = tpu.memref_slice %arg11[%dma_start3A_136] : memref<14336xi32, #tpu.memory_space<vmem>> -> memref<512xi32, #tpu.memory_space<vmem>>
    %dma_start3A_138 = tpu.memref_slice %arg4[%dma_start3A_131, %mul3A_2] : memref<26x16384xi32, #tpu.memory_space<hbm>> -> memref<1x512xi32, #tpu.memory_space<hbm>>
    %dma_start3A_139 = tpu.memref_squeeze %dma_start3A_138 : memref<1x512xi32, #tpu.memory_space<hbm>> -> memref<512xi32, #tpu.memory_space<hbm>>
    tpu.enqueue_dma source(%dma_start3A_139 : memref<512xi32, #tpu.memory_space<hbm>>) target(%dma_start3A_137 : memref<512xi32, #tpu.memory_space<vmem>>) target_semaphore(%arg21 : memref<!tpu.dma_semaphore, #tpu.memory_space<semaphore_mem>>)
    %dma_start3A_140 = arith.constant 14 : i32
    %dma_start3A_141 = arith.constant 8192 : i32
    %dma_start3A_142 = tpu.memref_slice %arg11[%dma_start3A_141] : memref<14336xi32, #tpu.memory_space<vmem>> -> memref<512xi32, #tpu.memory_space<vmem>>
    %dma_start3A_143 = tpu.memref_slice %arg4[%dma_start3A_140, %mul3A_2] : memref<26x16384xi32, #tpu.memory_space<hbm>> -> memref<1x512xi32, #tpu.memory_space<hbm>>
    %dma_start3A_144 = tpu.memref_squeeze %dma_start3A_143 : memref<1x512xi32, #tpu.memory_space<hbm>> -> memref<512xi32, #tpu.memory_space<hbm>>
    %dma_start3A_145 = arith.constant 8192 : i32
    %dma_start3A_146 = tpu.memref_slice %arg11[%dma_start3A_145] : memref<14336xi32, #tpu.memory_space<vmem>> -> memref<512xi32, #tpu.memory_space<vmem>>
    %dma_start3A_147 = tpu.memref_slice %arg4[%dma_start3A_140, %mul3A_2] : memref<26x16384xi32, #tpu.memory_space<hbm>> -> memref<1x512xi32, #tpu.memory_space<hbm>>
    %dma_start3A_148 = tpu.memref_squeeze %dma_start3A_147 : memref<1x512xi32, #tpu.memory_space<hbm>> -> memref<512xi32, #tpu.memory_space<hbm>>
    tpu.enqueue_dma source(%dma_start3A_148 : memref<512xi32, #tpu.memory_space<hbm>>) target(%dma_start3A_146 : memref<512xi32, #tpu.memory_space<vmem>>) target_semaphore(%arg21 : memref<!tpu.dma_semaphore, #tpu.memory_space<semaphore_mem>>)
    %dma_start3A_149 = arith.constant 15 : i32
    %dma_start3A_150 = arith.constant 8704 : i32
    %dma_start3A_151 = tpu.memref_slice %arg11[%dma_start3A_150] : memref<14336xi32, #tpu.memory_space<vmem>> -> memref<512xi32, #tpu.memory_space<vmem>>
    %dma_start3A_152 = tpu.memref_slice %arg4[%dma_start3A_149, %mul3A_2] : memref<26x16384xi32, #tpu.memory_space<hbm>> -> memref<1x512xi32, #tpu.memory_space<hbm>>
    %dma_start3A_153 = tpu.memref_squeeze %dma_start3A_152 : memref<1x512xi32, #tpu.memory_space<hbm>> -> memref<512xi32, #tpu.memory_space<hbm>>
    %dma_start3A_154 = arith.constant 8704 : i32
    %dma_start3A_155 = tpu.memref_slice %arg11[%dma_start3A_154] : memref<14336xi32, #tpu.memory_space<vmem>> -> memref<512xi32, #tpu.memory_space<vmem>>
    %dma_start3A_156 = tpu.memref_slice %arg4[%dma_start3A_149, %mul3A_2] : memref<26x16384xi32, #tpu.memory_space<hbm>> -> memref<1x512xi32, #tpu.memory_space<hbm>>
    %dma_start3A_157 = tpu.memref_squeeze %dma_start3A_156 : memref<1x512xi32, #tpu.memory_space<hbm>> -> memref<512xi32, #tpu.memory_space<hbm>>
    tpu.enqueue_dma source(%dma_start3A_157 : memref<512xi32, #tpu.memory_space<hbm>>) target(%dma_start3A_155 : memref<512xi32, #tpu.memory_space<vmem>>) target_semaphore(%arg21 : memref<!tpu.dma_semaphore, #tpu.memory_space<semaphore_mem>>)
    %dma_start3A_158 = arith.constant 16 : i32
    %dma_start3A_159 = arith.constant 9216 : i32
    %dma_start3A_160 = tpu.memref_slice %arg11[%dma_start3A_159] : memref<14336xi32, #tpu.memory_space<vmem>> -> memref<512xi32, #tpu.memory_space<vmem>>
    %dma_start3A_161 = tpu.memref_slice %arg4[%dma_start3A_158, %mul3A_2] : memref<26x16384xi32, #tpu.memory_space<hbm>> -> memref<1x512xi32, #tpu.memory_space<hbm>>
    %dma_start3A_162 = tpu.memref_squeeze %dma_start3A_161 : memref<1x512xi32, #tpu.memory_space<hbm>> -> memref<512xi32, #tpu.memory_space<hbm>>
    %dma_start3A_163 = arith.constant 9216 : i32
    %dma_start3A_164 = tpu.memref_slice %arg11[%dma_start3A_163] : memref<14336xi32, #tpu.memory_space<vmem>> -> memref<512xi32, #tpu.memory_space<vmem>>
    %dma_start3A_165 = tpu.memref_slice %arg4[%dma_start3A_158, %mul3A_2] : memref<26x16384xi32, #tpu.memory_space<hbm>> -> memref<1x512xi32, #tpu.memory_space<hbm>>
    %dma_start3A_166 = tpu.memref_squeeze %dma_start3A_165 : memref<1x512xi32, #tpu.memory_space<hbm>> -> memref<512xi32, #tpu.memory_space<hbm>>
    tpu.enqueue_dma source(%dma_start3A_166 : memref<512xi32, #tpu.memory_space<hbm>>) target(%dma_start3A_164 : memref<512xi32, #tpu.memory_space<vmem>>) target_semaphore(%arg21 : memref<!tpu.dma_semaphore, #tpu.memory_space<semaphore_mem>>)
    %dma_start3A_167 = arith.constant 17 : i32
    %dma_start3A_168 = arith.constant 9728 : i32
    %dma_start3A_169 = tpu.memref_slice %arg11[%dma_start3A_168] : memref<14336xi32, #tpu.memory_space<vmem>> -> memref<512xi32, #tpu.memory_space<vmem>>
    %dma_start3A_170 = tpu.memref_slice %arg4[%dma_start3A_167, %mul3A_2] : memref<26x16384xi32, #tpu.memory_space<hbm>> -> memref<1x512xi32, #tpu.memory_space<hbm>>
    %dma_start3A_171 = tpu.memref_squeeze %dma_start3A_170 : memref<1x512xi32, #tpu.memory_space<hbm>> -> memref<512xi32, #tpu.memory_space<hbm>>
    %dma_start3A_172 = arith.constant 9728 : i32
    %dma_start3A_173 = tpu.memref_slice %arg11[%dma_start3A_172] : memref<14336xi32, #tpu.memory_space<vmem>> -> memref<512xi32, #tpu.memory_space<vmem>>
    %dma_start3A_174 = tpu.memref_slice %arg4[%dma_start3A_167, %mul3A_2] : memref<26x16384xi32, #tpu.memory_space<hbm>> -> memref<1x512xi32, #tpu.memory_space<hbm>>
    %dma_start3A_175 = tpu.memref_squeeze %dma_start3A_174 : memref<1x512xi32, #tpu.memory_space<hbm>> -> memref<512xi32, #tpu.memory_space<hbm>>
    tpu.enqueue_dma source(%dma_start3A_175 : memref<512xi32, #tpu.memory_space<hbm>>) target(%dma_start3A_173 : memref<512xi32, #tpu.memory_space<vmem>>) target_semaphore(%arg21 : memref<!tpu.dma_semaphore, #tpu.memory_space<semaphore_mem>>)
    %dma_start3A_176 = arith.constant 18 : i32
    %dma_start3A_177 = arith.constant 10240 : i32
    %dma_start3A_178 = tpu.memref_slice %arg11[%dma_start3A_177] : memref<14336xi32, #tpu.memory_space<vmem>> -> memref<512xi32, #tpu.memory_space<vmem>>
    %dma_start3A_179 = tpu.memref_slice %arg4[%dma_start3A_176, %mul3A_2] : memref<26x16384xi32, #tpu.memory_space<hbm>> -> memref<1x512xi32, #tpu.memory_space<hbm>>
    %dma_start3A_180 = tpu.memref_squeeze %dma_start3A_179 : memref<1x512xi32, #tpu.memory_space<hbm>> -> memref<512xi32, #tpu.memory_space<hbm>>
    %dma_start3A_181 = arith.constant 10240 : i32
    %dma_start3A_182 = tpu.memref_slice %arg11[%dma_start3A_181] : memref<14336xi32, #tpu.memory_space<vmem>> -> memref<512xi32, #tpu.memory_space<vmem>>
    %dma_start3A_183 = tpu.memref_slice %arg4[%dma_start3A_176, %mul3A_2] : memref<26x16384xi32, #tpu.memory_space<hbm>> -> memref<1x512xi32, #tpu.memory_space<hbm>>
    %dma_start3A_184 = tpu.memref_squeeze %dma_start3A_183 : memref<1x512xi32, #tpu.memory_space<hbm>> -> memref<512xi32, #tpu.memory_space<hbm>>
    tpu.enqueue_dma source(%dma_start3A_184 : memref<512xi32, #tpu.memory_space<hbm>>) target(%dma_start3A_182 : memref<512xi32, #tpu.memory_space<vmem>>) target_semaphore(%arg21 : memref<!tpu.dma_semaphore, #tpu.memory_space<semaphore_mem>>)
    %dma_start3A_185 = arith.constant 19 : i32
    %dma_start3A_186 = arith.constant 10752 : i32
    %dma_start3A_187 = tpu.memref_slice %arg11[%dma_start3A_186] : memref<14336xi32, #tpu.memory_space<vmem>> -> memref<512xi32, #tpu.memory_space<vmem>>
    %dma_start3A_188 = tpu.memref_slice %arg4[%dma_start3A_185, %mul3A_2] : memref<26x16384xi32, #tpu.memory_space<hbm>> -> memref<1x512xi32, #tpu.memory_space<hbm>>
    %dma_start3A_189 = tpu.memref_squeeze %dma_start3A_188 : memref<1x512xi32, #tpu.memory_space<hbm>> -> memref<512xi32, #tpu.memory_space<hbm>>
    %dma_start3A_190 = arith.constant 10752 : i32
    %dma_start3A_191 = tpu.memref_slice %arg11[%dma_start3A_190] : memref<14336xi32, #tpu.memory_space<vmem>> -> memref<512xi32, #tpu.memory_space<vmem>>
    %dma_start3A_192 = tpu.memref_slice %arg4[%dma_start3A_185, %mul3A_2] : memref<26x16384xi32, #tpu.memory_space<hbm>> -> memref<1x512xi32, #tpu.memory_space<hbm>>
    %dma_start3A_193 = tpu.memref_squeeze %dma_start3A_192 : memref<1x512xi32, #tpu.memory_space<hbm>> -> memref<512xi32, #tpu.memory_space<hbm>>
    tpu.enqueue_dma source(%dma_start3A_193 : memref<512xi32, #tpu.memory_space<hbm>>) target(%dma_start3A_191 : memref<512xi32, #tpu.memory_space<vmem>>) target_semaphore(%arg21 : memref<!tpu.dma_semaphore, #tpu.memory_space<semaphore_mem>>)
    %dma_start3A_194 = arith.constant 20 : i32
    %dma_start3A_195 = arith.constant 11264 : i32
    %dma_start3A_196 = tpu.memref_slice %arg11[%dma_start3A_195] : memref<14336xi32, #tpu.memory_space<vmem>> -> memref<512xi32, #tpu.memory_space<vmem>>
    %dma_start3A_197 = tpu.memref_slice %arg4[%dma_start3A_194, %mul3A_2] : memref<26x16384xi32, #tpu.memory_space<hbm>> -> memref<1x512xi32, #tpu.memory_space<hbm>>
    %dma_start3A_198 = tpu.memref_squeeze %dma_start3A_197 : memref<1x512xi32, #tpu.memory_space<hbm>> -> memref<512xi32, #tpu.memory_space<hbm>>
    %dma_start3A_199 = arith.constant 11264 : i32
    %dma_start3A_200 = tpu.memref_slice %arg11[%dma_start3A_199] : memref<14336xi32, #tpu.memory_space<vmem>> -> memref<512xi32, #tpu.memory_space<vmem>>
    %dma_start3A_201 = tpu.memref_slice %arg4[%dma_start3A_194, %mul3A_2] : memref<26x16384xi32, #tpu.memory_space<hbm>> -> memref<1x512xi32, #tpu.memory_space<hbm>>
    %dma_start3A_202 = tpu.memref_squeeze %dma_start3A_201 : memref<1x512xi32, #tpu.memory_space<hbm>> -> memref<512xi32, #tpu.memory_space<hbm>>
    tpu.enqueue_dma source(%dma_start3A_202 : memref<512xi32, #tpu.memory_space<hbm>>) target(%dma_start3A_200 : memref<512xi32, #tpu.memory_space<vmem>>) target_semaphore(%arg21 : memref<!tpu.dma_semaphore, #tpu.memory_space<semaphore_mem>>)
    %dma_start3A_203 = arith.constant 21 : i32
    %dma_start3A_204 = arith.constant 11776 : i32
    %dma_start3A_205 = tpu.memref_slice %arg11[%dma_start3A_204] : memref<14336xi32, #tpu.memory_space<vmem>> -> memref<512xi32, #tpu.memory_space<vmem>>
    %dma_start3A_206 = tpu.memref_slice %arg4[%dma_start3A_203, %mul3A_2] : memref<26x16384xi32, #tpu.memory_space<hbm>> -> memref<1x512xi32, #tpu.memory_space<hbm>>
    %dma_start3A_207 = tpu.memref_squeeze %dma_start3A_206 : memref<1x512xi32, #tpu.memory_space<hbm>> -> memref<512xi32, #tpu.memory_space<hbm>>
    %dma_start3A_208 = arith.constant 11776 : i32
    %dma_start3A_209 = tpu.memref_slice %arg11[%dma_start3A_208] : memref<14336xi32, #tpu.memory_space<vmem>> -> memref<512xi32, #tpu.memory_space<vmem>>
    %dma_start3A_210 = tpu.memref_slice %arg4[%dma_start3A_203, %mul3A_2] : memref<26x16384xi32, #tpu.memory_space<hbm>> -> memref<1x512xi32, #tpu.memory_space<hbm>>
    %dma_start3A_211 = tpu.memref_squeeze %dma_start3A_210 : memref<1x512xi32, #tpu.memory_space<hbm>> -> memref<512xi32, #tpu.memory_space<hbm>>
    tpu.enqueue_dma source(%dma_start3A_211 : memref<512xi32, #tpu.memory_space<hbm>>) target(%dma_start3A_209 : memref<512xi32, #tpu.memory_space<vmem>>) target_semaphore(%arg21 : memref<!tpu.dma_semaphore, #tpu.memory_space<semaphore_mem>>)
    %dma_start3A_212 = arith.constant 22 : i32
    %dma_start3A_213 = arith.constant 12288 : i32
    %dma_start3A_214 = tpu.memref_slice %arg11[%dma_start3A_213] : memref<14336xi32, #tpu.memory_space<vmem>> -> memref<512xi32, #tpu.memory_space<vmem>>
    %dma_start3A_215 = tpu.memref_slice %arg4[%dma_start3A_212, %mul3A_2] : memref<26x16384xi32, #tpu.memory_space<hbm>> -> memref<1x512xi32, #tpu.memory_space<hbm>>
    %dma_start3A_216 = tpu.memref_squeeze %dma_start3A_215 : memref<1x512xi32, #tpu.memory_space<hbm>> -> memref<512xi32, #tpu.memory_space<hbm>>
    %dma_start3A_217 = arith.constant 12288 : i32
    %dma_start3A_218 = tpu.memref_slice %arg11[%dma_start3A_217] : memref<14336xi32, #tpu.memory_space<vmem>> -> memref<512xi32, #tpu.memory_space<vmem>>
    %dma_start3A_219 = tpu.memref_slice %arg4[%dma_start3A_212, %mul3A_2] : memref<26x16384xi32, #tpu.memory_space<hbm>> -> memref<1x512xi32, #tpu.memory_space<hbm>>
    %dma_start3A_220 = tpu.memref_squeeze %dma_start3A_219 : memref<1x512xi32, #tpu.memory_space<hbm>> -> memref<512xi32, #tpu.memory_space<hbm>>
    tpu.enqueue_dma source(%dma_start3A_220 : memref<512xi32, #tpu.memory_space<hbm>>) target(%dma_start3A_218 : memref<512xi32, #tpu.memory_space<vmem>>) target_semaphore(%arg21 : memref<!tpu.dma_semaphore, #tpu.memory_space<semaphore_mem>>)
    %dma_start3A_221 = arith.constant 23 : i32
    %dma_start3A_222 = arith.constant 12800 : i32
    %dma_start3A_223 = tpu.memref_slice %arg11[%dma_start3A_222] : memref<14336xi32, #tpu.memory_space<vmem>> -> memref<512xi32, #tpu.memory_space<vmem>>
    %dma_start3A_224 = tpu.memref_slice %arg4[%dma_start3A_221, %mul3A_2] : memref<26x16384xi32, #tpu.memory_space<hbm>> -> memref<1x512xi32, #tpu.memory_space<hbm>>
    %dma_start3A_225 = tpu.memref_squeeze %dma_start3A_224 : memref<1x512xi32, #tpu.memory_space<hbm>> -> memref<512xi32, #tpu.memory_space<hbm>>
    %dma_start3A_226 = arith.constant 12800 : i32
    %dma_start3A_227 = tpu.memref_slice %arg11[%dma_start3A_226] : memref<14336xi32, #tpu.memory_space<vmem>> -> memref<512xi32, #tpu.memory_space<vmem>>
    %dma_start3A_228 = tpu.memref_slice %arg4[%dma_start3A_221, %mul3A_2] : memref<26x16384xi32, #tpu.memory_space<hbm>> -> memref<1x512xi32, #tpu.memory_space<hbm>>
    %dma_start3A_229 = tpu.memref_squeeze %dma_start3A_228 : memref<1x512xi32, #tpu.memory_space<hbm>> -> memref<512xi32, #tpu.memory_space<hbm>>
    tpu.enqueue_dma source(%dma_start3A_229 : memref<512xi32, #tpu.memory_space<hbm>>) target(%dma_start3A_227 : memref<512xi32, #tpu.memory_space<vmem>>) target_semaphore(%arg21 : memref<!tpu.dma_semaphore, #tpu.memory_space<semaphore_mem>>)
    %dma_start3A_230 = arith.constant 24 : i32
    %dma_start3A_231 = arith.constant 13312 : i32
    %dma_start3A_232 = tpu.memref_slice %arg11[%dma_start3A_231] : memref<14336xi32, #tpu.memory_space<vmem>> -> memref<512xi32, #tpu.memory_space<vmem>>
    %dma_start3A_233 = tpu.memref_slice %arg4[%dma_start3A_230, %mul3A_2] : memref<26x16384xi32, #tpu.memory_space<hbm>> -> memref<1x512xi32, #tpu.memory_space<hbm>>
    %dma_start3A_234 = tpu.memref_squeeze %dma_start3A_233 : memref<1x512xi32, #tpu.memory_space<hbm>> -> memref<512xi32, #tpu.memory_space<hbm>>
    %dma_start3A_235 = arith.constant 13312 : i32
    %dma_start3A_236 = tpu.memref_slice %arg11[%dma_start3A_235] : memref<14336xi32, #tpu.memory_space<vmem>> -> memref<512xi32, #tpu.memory_space<vmem>>
    %dma_start3A_237 = tpu.memref_slice %arg4[%dma_start3A_230, %mul3A_2] : memref<26x16384xi32, #tpu.memory_space<hbm>> -> memref<1x512xi32, #tpu.memory_space<hbm>>
    %dma_start3A_238 = tpu.memref_squeeze %dma_start3A_237 : memref<1x512xi32, #tpu.memory_space<hbm>> -> memref<512xi32, #tpu.memory_space<hbm>>
    tpu.enqueue_dma source(%dma_start3A_238 : memref<512xi32, #tpu.memory_space<hbm>>) target(%dma_start3A_236 : memref<512xi32, #tpu.memory_space<vmem>>) target_semaphore(%arg21 : memref<!tpu.dma_semaphore, #tpu.memory_space<semaphore_mem>>)
    %dma_start3A_239 = arith.constant 25 : i32
    %dma_start3A_240 = arith.constant 13824 : i32
    %dma_start3A_241 = tpu.memref_slice %arg11[%dma_start3A_240] : memref<14336xi32, #tpu.memory_space<vmem>> -> memref<512xi32, #tpu.memory_space<vmem>>
    %dma_start3A_242 = tpu.memref_slice %arg4[%dma_start3A_239, %mul3A_2] : memref<26x16384xi32, #tpu.memory_space<hbm>> -> memref<1x512xi32, #tpu.memory_space<hbm>>
    %dma_start3A_243 = tpu.memref_squeeze %dma_start3A_242 : memref<1x512xi32, #tpu.memory_space<hbm>> -> memref<512xi32, #tpu.memory_space<hbm>>
    %dma_start3A_244 = arith.constant 13824 : i32
    %dma_start3A_245 = tpu.memref_slice %arg11[%dma_start3A_244] : memref<14336xi32, #tpu.memory_space<vmem>> -> memref<512xi32, #tpu.memory_space<vmem>>
    %dma_start3A_246 = tpu.memref_slice %arg4[%dma_start3A_239, %mul3A_2] : memref<26x16384xi32, #tpu.memory_space<hbm>> -> memref<1x512xi32, #tpu.memory_space<hbm>>
    %dma_start3A_247 = tpu.memref_squeeze %dma_start3A_246 : memref<1x512xi32, #tpu.memory_space<hbm>> -> memref<512xi32, #tpu.memory_space<hbm>>
    tpu.enqueue_dma source(%dma_start3A_247 : memref<512xi32, #tpu.memory_space<hbm>>) target(%dma_start3A_245 : memref<512xi32, #tpu.memory_space<vmem>>) target_semaphore(%arg21 : memref<!tpu.dma_semaphore, #tpu.memory_space<semaphore_mem>>)
    %dma_wait3A = arith.constant 0 : i32
    %dma_wait3A_248 = tpu.memref_slice %arg11[%dma_wait3A] : memref<14336xi32, #tpu.memory_space<vmem>> -> memref<512xi32, #tpu.memory_space<vmem>>
    %dma_wait3A_249 = tpu.memref_slice %arg2[%mul3A_2] : memref<16384xi32, #tpu.memory_space<hbm>> -> memref<512xi32, #tpu.memory_space<hbm>>
    %dma_wait3A_250 = arith.constant 0 : i32
    %dma_wait3A_251 = tpu.memref_slice %arg11[%dma_wait3A_250] : memref<14336xi32, #tpu.memory_space<vmem>> -> memref<512xi32, #tpu.memory_space<vmem>>
    %dma_wait3A_252 = tpu.memref_slice %arg2[%mul3A_2] : memref<16384xi32, #tpu.memory_space<hbm>> -> memref<512xi32, #tpu.memory_space<hbm>>
    tpu.wait_dma2 semaphore(%arg21 : memref<!tpu.dma_semaphore, #tpu.memory_space<semaphore_mem>>) src(%dma_wait3A_252 : memref<512xi32, #tpu.memory_space<hbm>>) dst(%dma_wait3A_251 : memref<512xi32, #tpu.memory_space<vmem>>)
    %dma_wait3A_253 = arith.constant 0 : i32
    %dma_wait3A_254 = tpu.memref_slice %arg11[%dma_wait3A_253] : memref<14336xi32, #tpu.memory_space<vmem>> -> memref<512xi32, #tpu.memory_space<vmem>>
    %dma_wait3A_255 = tpu.memref_slice %arg2[%mul3A_2] : memref<16384xi32, #tpu.memory_space<hbm>> -> memref<512xi32, #tpu.memory_space<hbm>>
    %dma_wait3A_256 = arith.constant 0 : i32
    %dma_wait3A_257 = tpu.memref_slice %arg11[%dma_wait3A_256] : memref<14336xi32, #tpu.memory_space<vmem>> -> memref<512xi32, #tpu.memory_space<vmem>>
    %dma_wait3A_258 = tpu.memref_slice %arg2[%mul3A_2] : memref<16384xi32, #tpu.memory_space<hbm>> -> memref<512xi32, #tpu.memory_space<hbm>>
    tpu.wait_dma2 semaphore(%arg21 : memref<!tpu.dma_semaphore, #tpu.memory_space<semaphore_mem>>) src(%dma_wait3A_258 : memref<512xi32, #tpu.memory_space<hbm>>) dst(%dma_wait3A_257 : memref<512xi32, #tpu.memory_space<vmem>>)
    %add3A_259 = arith.constant 0 : i32
    %add3A_260 = arith.addi %mul3A_2, %add3A_259 : i32
    %dma_start3A_261 = arith.constant 0 : i32
    %dma_start3A_262 = tpu.memref_slice %arg11[%dma_start3A_261] : memref<14336xi32, #tpu.memory_space<vmem>> -> memref<256xi32, #tpu.memory_space<vmem>>
    %dma_start3A_263 = arith.constant 0 : i32
    %dma_start3A_264 = arith.constant 0 : i32
    %dma_start3A_265 = tpu.memref_slice %arg5[%dma_start3A_263, %dma_start3A_264] : memref<1000000x128xf32, #tpu.memory_space<hbm>> -> memref<1000000x128xf32, #tpu.memory_space<hbm>>
    tpu.enqueue_indirect_dma source(%dma_start3A_265 : memref<1000000x128xf32, #tpu.memory_space<hbm>>) target(%arg12 : memref<256x128xf32, #tpu.memory_space<vmem>>) offsets(%dma_start3A_262 : memref<256xi32, #tpu.memory_space<vmem>>) semaphore(%arg15 : memref<!tpu.dma_semaphore, #tpu.memory_space<semaphore_mem>>)
    %add3A_266 = arith.constant 256 : i32
    %add3A_267 = arith.addi %mul3A_2, %add3A_266 : i32
    %dma_start3A_268 = arith.constant 256 : i32
    %dma_start3A_269 = tpu.memref_slice %arg11[%dma_start3A_268] : memref<14336xi32, #tpu.memory_space<vmem>> -> memref<256xi32, #tpu.memory_space<vmem>>
    %dma_start3A_270 = arith.constant 0 : i32
    %dma_start3A_271 = arith.constant 0 : i32
    %dma_start3A_272 = tpu.memref_slice %arg5[%dma_start3A_270, %dma_start3A_271] : memref<1000000x128xf32, #tpu.memory_space<hbm>> -> memref<1000000x128xf32, #tpu.memory_space<hbm>>
    tpu.enqueue_indirect_dma source(%dma_start3A_272 : memref<1000000x128xf32, #tpu.memory_space<hbm>>) target(%arg13 : memref<256x128xf32, #tpu.memory_space<vmem>>) offsets(%dma_start3A_269 : memref<256xi32, #tpu.memory_space<vmem>>) semaphore(%arg16 : memref<!tpu.dma_semaphore, #tpu.memory_space<semaphore_mem>>)
    %add3A_273 = arith.constant 0 : i32
    %add3A_274 = arith.addi %mul3A_2, %add3A_273 : i32
    %dma_wait3A_275 = arith.constant 0 : i32
    %dma_wait3A_276 = tpu.memref_slice %arg11[%dma_wait3A_275] : memref<14336xi32, #tpu.memory_space<vmem>> -> memref<256xi32, #tpu.memory_space<vmem>>
    %dma_wait3A_277 = arith.constant 0 : i32
    %dma_wait3A_278 = arith.constant 0 : i32
    %dma_wait3A_279 = tpu.memref_slice %arg5[%dma_wait3A_277, %dma_wait3A_278] : memref<1000000x128xf32, #tpu.memory_space<hbm>> -> memref<1000000x128xf32, #tpu.memory_space<hbm>>
    tpu.wait_indirect_dma semaphore(%arg15 : memref<!tpu.dma_semaphore, #tpu.memory_space<semaphore_mem>>) src(%dma_wait3A_279 : memref<1000000x128xf32, #tpu.memory_space<hbm>>) dst(%arg12 : memref<256x128xf32, #tpu.memory_space<vmem>>)
    %add3A_280 = arith.constant 0 : i32
    %add3A_281 = arith.addi %mul3A_2, %add3A_280 : i32
    %dma_start3A_282 = arith.constant 0 : i32
    %dma_start3A_283 = tpu.memref_slice %arg8[%add3A_281, %dma_start3A_282] : memref<16384x128xf32, #tpu.memory_space<hbm>> -> memref<256x128xf32, #tpu.memory_space<hbm>>
    %dma_start3A_284 = arith.constant 0 : i32
    %dma_start3A_285 = tpu.memref_slice %arg8[%add3A_281, %dma_start3A_284] : memref<16384x128xf32, #tpu.memory_space<hbm>> -> memref<256x128xf32, #tpu.memory_space<hbm>>
    tpu.enqueue_dma source(%arg12 : memref<256x128xf32, #tpu.memory_space<vmem>>) target(%dma_start3A_285 : memref<256x128xf32, #tpu.memory_space<hbm>>) target_semaphore(%arg18 : memref<!tpu.dma_semaphore, #tpu.memory_space<semaphore_mem>>)
    %add3A_286 = arith.constant 0 : i32
    %add3A_287 = arith.addi %mul3A_2, %add3A_286 : i32
    %dma_start3A_288 = arith.constant 512 : i32
    %dma_start3A_289 = tpu.memref_slice %arg11[%dma_start3A_288] : memref<14336xi32, #tpu.memory_space<vmem>> -> memref<256xi32, #tpu.memory_space<vmem>>
    %dma_start3A_290 = arith.constant 0 : i32
    %dma_start3A_291 = arith.constant 0 : i32
    %dma_start3A_292 = tpu.memref_slice %arg6[%dma_start3A_290, %dma_start3A_291] : memref<100000x128xf32, #tpu.memory_space<hbm>> -> memref<100000x128xf32, #tpu.memory_space<hbm>>
    tpu.enqueue_indirect_dma source(%dma_start3A_292 : memref<100000x128xf32, #tpu.memory_space<hbm>>) target(%arg14 : memref<256x128xf32, #tpu.memory_space<vmem>>) offsets(%dma_start3A_289 : memref<256xi32, #tpu.memory_space<vmem>>) semaphore(%arg17 : memref<!tpu.dma_semaphore, #tpu.memory_space<semaphore_mem>>)
    %add3A_293 = arith.constant 256 : i32
    %add3A_294 = arith.addi %mul3A_2, %add3A_293 : i32
    %dma_wait3A_295 = arith.constant 256 : i32
    %dma_wait3A_296 = tpu.memref_slice %arg11[%dma_wait3A_295] : memref<14336xi32, #tpu.memory_space<vmem>> -> memref<256xi32, #tpu.memory_space<vmem>>
    %dma_wait3A_297 = arith.constant 0 : i32
    %dma_wait3A_298 = arith.constant 0 : i32
    %dma_wait3A_299 = tpu.memref_slice %arg5[%dma_wait3A_297, %dma_wait3A_298] : memref<1000000x128xf32, #tpu.memory_space<hbm>> -> memref<1000000x128xf32, #tpu.memory_space<hbm>>
    tpu.wait_indirect_dma semaphore(%arg16 : memref<!tpu.dma_semaphore, #tpu.memory_space<semaphore_mem>>) src(%dma_wait3A_299 : memref<1000000x128xf32, #tpu.memory_space<hbm>>) dst(%arg13 : memref<256x128xf32, #tpu.memory_space<vmem>>)
    %add3A_300 = arith.constant 256 : i32
    %add3A_301 = arith.addi %mul3A_2, %add3A_300 : i32
    %dma_start3A_302 = arith.constant 0 : i32
    %dma_start3A_303 = tpu.memref_slice %arg8[%add3A_301, %dma_start3A_302] : memref<16384x128xf32, #tpu.memory_space<hbm>> -> memref<256x128xf32, #tpu.memory_space<hbm>>
    %dma_start3A_304 = arith.constant 0 : i32
    %dma_start3A_305 = tpu.memref_slice %arg8[%add3A_301, %dma_start3A_304] : memref<16384x128xf32, #tpu.memory_space<hbm>> -> memref<256x128xf32, #tpu.memory_space<hbm>>
    tpu.enqueue_dma source(%arg13 : memref<256x128xf32, #tpu.memory_space<vmem>>) target(%dma_start3A_305 : memref<256x128xf32, #tpu.memory_space<hbm>>) target_semaphore(%arg19 : memref<!tpu.dma_semaphore, #tpu.memory_space<semaphore_mem>>)
    %add3A_306 = arith.constant 0 : i32
    %add3A_307 = arith.addi %mul3A_2, %add3A_306 : i32
    %dma_wait3A_308 = arith.constant 0 : i32
    %dma_wait3A_309 = tpu.memref_slice %arg8[%add3A_307, %dma_wait3A_308] : memref<16384x128xf32, #tpu.memory_space<hbm>> -> memref<256x128xf32, #tpu.memory_space<hbm>>
    %dma_wait3A_310 = arith.constant 0 : i32
    %dma_wait3A_311 = tpu.memref_slice %arg8[%add3A_307, %dma_wait3A_310] : memref<16384x128xf32, #tpu.memory_space<hbm>> -> memref<256x128xf32, #tpu.memory_space<hbm>>
    tpu.wait_dma2 semaphore(%arg18 : memref<!tpu.dma_semaphore, #tpu.memory_space<semaphore_mem>>) src(%arg12 : memref<256x128xf32, #tpu.memory_space<vmem>>) dst(%dma_wait3A_311 : memref<256x128xf32, #tpu.memory_space<hbm>>)
    %add3A_312 = arith.constant 256 : i32
    %add3A_313 = arith.addi %mul3A_2, %add3A_312 : i32
    %dma_start3A_314 = arith.constant 768 : i32
    %dma_start3A_315 = tpu.memref_slice %arg11[%dma_start3A_314] : memref<14336xi32, #tpu.memory_space<vmem>> -> memref<256xi32, #tpu.memory_space<vmem>>
    %dma_start3A_316 = arith.constant 0 : i32
    %dma_start3A_317 = arith.constant 0 : i32
    %dma_start3A_318 = tpu.memref_slice %arg6[%dma_start3A_316, %dma_start3A_317] : memref<100000x128xf32, #tpu.memory_space<hbm>> -> memref<100000x128xf32, #tpu.memory_space<hbm>>
    tpu.enqueue_indirect_dma source(%dma_start3A_318 : memref<100000x128xf32, #tpu.memory_space<hbm>>) target(%arg12 : memref<256x128xf32, #tpu.memory_space<vmem>>) offsets(%dma_start3A_315 : memref<256xi32, #tpu.memory_space<vmem>>) semaphore(%arg15 : memref<!tpu.dma_semaphore, #tpu.memory_space<semaphore_mem>>)
    %dma_wait3A_319 = arith.constant 0 : i32
    %dma_wait3A_320 = tpu.memref_slice %arg11[%dma_wait3A_319] : memref<14336xi32, #tpu.memory_space<vmem>> -> memref<512xi32, #tpu.memory_space<vmem>>
    %dma_wait3A_321 = tpu.memref_slice %arg2[%mul3A_2] : memref<16384xi32, #tpu.memory_space<hbm>> -> memref<512xi32, #tpu.memory_space<hbm>>
    %dma_wait3A_322 = arith.constant 0 : i32
    %dma_wait3A_323 = tpu.memref_slice %arg11[%dma_wait3A_322] : memref<14336xi32, #tpu.memory_space<vmem>> -> memref<512xi32, #tpu.memory_space<vmem>>
    %dma_wait3A_324 = tpu.memref_slice %arg2[%mul3A_2] : memref<16384xi32, #tpu.memory_space<hbm>> -> memref<512xi32, #tpu.memory_space<hbm>>
    tpu.wait_dma2 semaphore(%arg21 : memref<!tpu.dma_semaphore, #tpu.memory_space<semaphore_mem>>) src(%dma_wait3A_324 : memref<512xi32, #tpu.memory_space<hbm>>) dst(%dma_wait3A_323 : memref<512xi32, #tpu.memory_space<vmem>>)
    %dma_wait3A_325 = arith.constant 0 : i32
    %dma_wait3A_326 = tpu.memref_slice %arg11[%dma_wait3A_325] : memref<14336xi32, #tpu.memory_space<vmem>> -> memref<512xi32, #tpu.memory_space<vmem>>
    %dma_wait3A_327 = tpu.memref_slice %arg2[%mul3A_2] : memref<16384xi32, #tpu.memory_space<hbm>> -> memref<512xi32, #tpu.memory_space<hbm>>
    %dma_wait3A_328 = arith.constant 0 : i32
    %dma_wait3A_329 = tpu.memref_slice %arg11[%dma_wait3A_328] : memref<14336xi32, #tpu.memory_space<vmem>> -> memref<512xi32, #tpu.memory_space<vmem>>
    %dma_wait3A_330 = tpu.memref_slice %arg2[%mul3A_2] : memref<16384xi32, #tpu.memory_space<hbm>> -> memref<512xi32, #tpu.memory_space<hbm>>
    tpu.wait_dma2 semaphore(%arg21 : memref<!tpu.dma_semaphore, #tpu.memory_space<semaphore_mem>>) src(%dma_wait3A_330 : memref<512xi32, #tpu.memory_space<hbm>>) dst(%dma_wait3A_329 : memref<512xi32, #tpu.memory_space<vmem>>)
    %dma_wait3A_331 = arith.constant 0 : i32
    %dma_wait3A_332 = tpu.memref_slice %arg11[%dma_wait3A_331] : memref<14336xi32, #tpu.memory_space<vmem>> -> memref<512xi32, #tpu.memory_space<vmem>>
    %dma_wait3A_333 = tpu.memref_slice %arg2[%mul3A_2] : memref<16384xi32, #tpu.memory_space<hbm>> -> memref<512xi32, #tpu.memory_space<hbm>>
    %dma_wait3A_334 = arith.constant 0 : i32
    %dma_wait3A_335 = tpu.memref_slice %arg11[%dma_wait3A_334] : memref<14336xi32, #tpu.memory_space<vmem>> -> memref<512xi32, #tpu.memory_space<vmem>>
    %dma_wait3A_336 = tpu.memref_slice %arg2[%mul3A_2] : memref<16384xi32, #tpu.memory_space<hbm>> -> memref<512xi32, #tpu.memory_space<hbm>>
    tpu.wait_dma2 semaphore(%arg21 : memref<!tpu.dma_semaphore, #tpu.memory_space<semaphore_mem>>) src(%dma_wait3A_336 : memref<512xi32, #tpu.memory_space<hbm>>) dst(%dma_wait3A_335 : memref<512xi32, #tpu.memory_space<vmem>>)
    %dma_wait3A_337 = arith.constant 0 : i32
    %dma_wait3A_338 = tpu.memref_slice %arg11[%dma_wait3A_337] : memref<14336xi32, #tpu.memory_space<vmem>> -> memref<512xi32, #tpu.memory_space<vmem>>
    %dma_wait3A_339 = tpu.memref_slice %arg2[%mul3A_2] : memref<16384xi32, #tpu.memory_space<hbm>> -> memref<512xi32, #tpu.memory_space<hbm>>
    %dma_wait3A_340 = arith.constant 0 : i32
    %dma_wait3A_341 = tpu.memref_slice %arg11[%dma_wait3A_340] : memref<14336xi32, #tpu.memory_space<vmem>> -> memref<512xi32, #tpu.memory_space<vmem>>
    %dma_wait3A_342 = tpu.memref_slice %arg2[%mul3A_2] : memref<16384xi32, #tpu.memory_space<hbm>> -> memref<512xi32, #tpu.memory_space<hbm>>
    tpu.wait_dma2 semaphore(%arg21 : memref<!tpu.dma_semaphore, #tpu.memory_space<semaphore_mem>>) src(%dma_wait3A_342 : memref<512xi32, #tpu.memory_space<hbm>>) dst(%dma_wait3A_341 : memref<512xi32, #tpu.memory_space<vmem>>)
    %dma_wait3A_343 = arith.constant 0 : i32
    %dma_wait3A_344 = tpu.memref_slice %arg11[%dma_wait3A_343] : memref<14336xi32, #tpu.memory_space<vmem>> -> memref<512xi32, #tpu.memory_space<vmem>>
    %dma_wait3A_345 = tpu.memref_slice %arg2[%mul3A_2] : memref<16384xi32, #tpu.memory_space<hbm>> -> memref<512xi32, #tpu.memory_space<hbm>>
    %dma_wait3A_346 = arith.constant 0 : i32
    %dma_wait3A_347 = tpu.memref_slice %arg11[%dma_wait3A_346] : memref<14336xi32, #tpu.memory_space<vmem>> -> memref<512xi32, #tpu.memory_space<vmem>>
    %dma_wait3A_348 = tpu.memref_slice %arg2[%mul3A_2] : memref<16384xi32, #tpu.memory_space<hbm>> -> memref<512xi32, #tpu.memory_space<hbm>>
    tpu.wait_dma2 semaphore(%arg21 : memref<!tpu.dma_semaphore, #tpu.memory_space<semaphore_mem>>) src(%dma_wait3A_348 : memref<512xi32, #tpu.memory_space<hbm>>) dst(%dma_wait3A_347 : memref<512xi32, #tpu.memory_space<vmem>>)
    %dma_wait3A_349 = arith.constant 0 : i32
    %dma_wait3A_350 = tpu.memref_slice %arg11[%dma_wait3A_349] : memref<14336xi32, #tpu.memory_space<vmem>> -> memref<512xi32, #tpu.memory_space<vmem>>
    %dma_wait3A_351 = tpu.memref_slice %arg2[%mul3A_2] : memref<16384xi32, #tpu.memory_space<hbm>> -> memref<512xi32, #tpu.memory_space<hbm>>
    %dma_wait3A_352 = arith.constant 0 : i32
    %dma_wait3A_353 = tpu.memref_slice %arg11[%dma_wait3A_352] : memref<14336xi32, #tpu.memory_space<vmem>> -> memref<512xi32, #tpu.memory_space<vmem>>
    %dma_wait3A_354 = tpu.memref_slice %arg2[%mul3A_2] : memref<16384xi32, #tpu.memory_space<hbm>> -> memref<512xi32, #tpu.memory_space<hbm>>
    tpu.wait_dma2 semaphore(%arg21 : memref<!tpu.dma_semaphore, #tpu.memory_space<semaphore_mem>>) src(%dma_wait3A_354 : memref<512xi32, #tpu.memory_space<hbm>>) dst(%dma_wait3A_353 : memref<512xi32, #tpu.memory_space<vmem>>)
    %dma_wait3A_355 = arith.constant 0 : i32
    %dma_wait3A_356 = tpu.memref_slice %arg11[%dma_wait3A_355] : memref<14336xi32, #tpu.memory_space<vmem>> -> memref<512xi32, #tpu.memory_space<vmem>>
    %dma_wait3A_357 = tpu.memref_slice %arg2[%mul3A_2] : memref<16384xi32, #tpu.memory_space<hbm>> -> memref<512xi32, #tpu.memory_space<hbm>>
    %dma_wait3A_358 = arith.constant 0 : i32
    %dma_wait3A_359 = tpu.memref_slice %arg11[%dma_wait3A_358] : memref<14336xi32, #tpu.memory_space<vmem>> -> memref<512xi32, #tpu.memory_space<vmem>>
    %dma_wait3A_360 = tpu.memref_slice %arg2[%mul3A_2] : memref<16384xi32, #tpu.memory_space<hbm>> -> memref<512xi32, #tpu.memory_space<hbm>>
    tpu.wait_dma2 semaphore(%arg21 : memref<!tpu.dma_semaphore, #tpu.memory_space<semaphore_mem>>) src(%dma_wait3A_360 : memref<512xi32, #tpu.memory_space<hbm>>) dst(%dma_wait3A_359 : memref<512xi32, #tpu.memory_space<vmem>>)
    %dma_wait3A_361 = arith.constant 0 : i32
    %dma_wait3A_362 = tpu.memref_slice %arg11[%dma_wait3A_361] : memref<14336xi32, #tpu.memory_space<vmem>> -> memref<512xi32, #tpu.memory_space<vmem>>
    %dma_wait3A_363 = tpu.memref_slice %arg2[%mul3A_2] : memref<16384xi32, #tpu.memory_space<hbm>> -> memref<512xi32, #tpu.memory_space<hbm>>
    %dma_wait3A_364 = arith.constant 0 : i32
    %dma_wait3A_365 = tpu.memref_slice %arg11[%dma_wait3A_364] : memref<14336xi32, #tpu.memory_space<vmem>> -> memref<512xi32, #tpu.memory_space<vmem>>
    %dma_wait3A_366 = tpu.memref_slice %arg2[%mul3A_2] : memref<16384xi32, #tpu.memory_space<hbm>> -> memref<512xi32, #tpu.memory_space<hbm>>
    tpu.wait_dma2 semaphore(%arg21 : memref<!tpu.dma_semaphore, #tpu.memory_space<semaphore_mem>>) src(%dma_wait3A_366 : memref<512xi32, #tpu.memory_space<hbm>>) dst(%dma_wait3A_365 : memref<512xi32, #tpu.memory_space<vmem>>)
    %dma_wait3A_367 = arith.constant 0 : i32
    %dma_wait3A_368 = tpu.memref_slice %arg11[%dma_wait3A_367] : memref<14336xi32, #tpu.memory_space<vmem>> -> memref<512xi32, #tpu.memory_space<vmem>>
    %dma_wait3A_369 = tpu.memref_slice %arg2[%mul3A_2] : memref<16384xi32, #tpu.memory_space<hbm>> -> memref<512xi32, #tpu.memory_space<hbm>>
    %dma_wait3A_370 = arith.constant 0 : i32
    %dma_wait3A_371 = tpu.memref_slice %arg11[%dma_wait3A_370] : memref<14336xi32, #tpu.memory_space<vmem>> -> memref<512xi32, #tpu.memory_space<vmem>>
    %dma_wait3A_372 = tpu.memref_slice %arg2[%mul3A_2] : memref<16384xi32, #tpu.memory_space<hbm>> -> memref<512xi32, #tpu.memory_space<hbm>>
    tpu.wait_dma2 semaphore(%arg21 : memref<!tpu.dma_semaphore, #tpu.memory_space<semaphore_mem>>) src(%dma_wait3A_372 : memref<512xi32, #tpu.memory_space<hbm>>) dst(%dma_wait3A_371 : memref<512xi32, #tpu.memory_space<vmem>>)
    %dma_wait3A_373 = arith.constant 0 : i32
    %dma_wait3A_374 = tpu.memref_slice %arg11[%dma_wait3A_373] : memref<14336xi32, #tpu.memory_space<vmem>> -> memref<512xi32, #tpu.memory_space<vmem>>
    %dma_wait3A_375 = tpu.memref_slice %arg2[%mul3A_2] : memref<16384xi32, #tpu.memory_space<hbm>> -> memref<512xi32, #tpu.memory_space<hbm>>
    %dma_wait3A_376 = arith.constant 0 : i32
    %dma_wait3A_377 = tpu.memref_slice %arg11[%dma_wait3A_376] : memref<14336xi32, #tpu.memory_space<vmem>> -> memref<512xi32, #tpu.memory_space<vmem>>
    %dma_wait3A_378 = tpu.memref_slice %arg2[%mul3A_2] : memref<16384xi32, #tpu.memory_space<hbm>> -> memref<512xi32, #tpu.memory_space<hbm>>
    tpu.wait_dma2 semaphore(%arg21 : memref<!tpu.dma_semaphore, #tpu.memory_space<semaphore_mem>>) src(%dma_wait3A_378 : memref<512xi32, #tpu.memory_space<hbm>>) dst(%dma_wait3A_377 : memref<512xi32, #tpu.memory_space<vmem>>)
    %dma_wait3A_379 = arith.constant 0 : i32
    %dma_wait3A_380 = tpu.memref_slice %arg11[%dma_wait3A_379] : memref<14336xi32, #tpu.memory_space<vmem>> -> memref<512xi32, #tpu.memory_space<vmem>>
    %dma_wait3A_381 = tpu.memref_slice %arg2[%mul3A_2] : memref<16384xi32, #tpu.memory_space<hbm>> -> memref<512xi32, #tpu.memory_space<hbm>>
    %dma_wait3A_382 = arith.constant 0 : i32
    %dma_wait3A_383 = tpu.memref_slice %arg11[%dma_wait3A_382] : memref<14336xi32, #tpu.memory_space<vmem>> -> memref<512xi32, #tpu.memory_space<vmem>>
    %dma_wait3A_384 = tpu.memref_slice %arg2[%mul3A_2] : memref<16384xi32, #tpu.memory_space<hbm>> -> memref<512xi32, #tpu.memory_space<hbm>>
    tpu.wait_dma2 semaphore(%arg21 : memref<!tpu.dma_semaphore, #tpu.memory_space<semaphore_mem>>) src(%dma_wait3A_384 : memref<512xi32, #tpu.memory_space<hbm>>) dst(%dma_wait3A_383 : memref<512xi32, #tpu.memory_space<vmem>>)
    %dma_wait3A_385 = arith.constant 0 : i32
    %dma_wait3A_386 = tpu.memref_slice %arg11[%dma_wait3A_385] : memref<14336xi32, #tpu.memory_space<vmem>> -> memref<512xi32, #tpu.memory_space<vmem>>
    %dma_wait3A_387 = tpu.memref_slice %arg2[%mul3A_2] : memref<16384xi32, #tpu.memory_space<hbm>> -> memref<512xi32, #tpu.memory_space<hbm>>
    %dma_wait3A_388 = arith.constant 0 : i32
    %dma_wait3A_389 = tpu.memref_slice %arg11[%dma_wait3A_388] : memref<14336xi32, #tpu.memory_space<vmem>> -> memref<512xi32, #tpu.memory_space<vmem>>
    %dma_wait3A_390 = tpu.memref_slice %arg2[%mul3A_2] : memref<16384xi32, #tpu.memory_space<hbm>> -> memref<512xi32, #tpu.memory_space<hbm>>
    tpu.wait_dma2 semaphore(%arg21 : memref<!tpu.dma_semaphore, #tpu.memory_space<semaphore_mem>>) src(%dma_wait3A_390 : memref<512xi32, #tpu.memory_space<hbm>>) dst(%dma_wait3A_389 : memref<512xi32, #tpu.memory_space<vmem>>)
    %dma_wait3A_391 = arith.constant 0 : i32
    %dma_wait3A_392 = tpu.memref_slice %arg11[%dma_wait3A_391] : memref<14336xi32, #tpu.memory_space<vmem>> -> memref<512xi32, #tpu.memory_space<vmem>>
    %dma_wait3A_393 = tpu.memref_slice %arg2[%mul3A_2] : memref<16384xi32, #tpu.memory_space<hbm>> -> memref<512xi32, #tpu.memory_space<hbm>>
    %dma_wait3A_394 = arith.constant 0 : i32
    %dma_wait3A_395 = tpu.memref_slice %arg11[%dma_wait3A_394] : memref<14336xi32, #tpu.memory_space<vmem>> -> memref<512xi32, #tpu.memory_space<vmem>>
    %dma_wait3A_396 = tpu.memref_slice %arg2[%mul3A_2] : memref<16384xi32, #tpu.memory_space<hbm>> -> memref<512xi32, #tpu.memory_space<hbm>>
    tpu.wait_dma2 semaphore(%arg21 : memref<!tpu.dma_semaphore, #tpu.memory_space<semaphore_mem>>) src(%dma_wait3A_396 : memref<512xi32, #tpu.memory_space<hbm>>) dst(%dma_wait3A_395 : memref<512xi32, #tpu.memory_space<vmem>>)
    %dma_wait3A_397 = arith.constant 0 : i32
    %dma_wait3A_398 = tpu.memref_slice %arg11[%dma_wait3A_397] : memref<14336xi32, #tpu.memory_space<vmem>> -> memref<512xi32, #tpu.memory_space<vmem>>
    %dma_wait3A_399 = tpu.memref_slice %arg2[%mul3A_2] : memref<16384xi32, #tpu.memory_space<hbm>> -> memref<512xi32, #tpu.memory_space<hbm>>
    %dma_wait3A_400 = arith.constant 0 : i32
    %dma_wait3A_401 = tpu.memref_slice %arg11[%dma_wait3A_400] : memref<14336xi32, #tpu.memory_space<vmem>> -> memref<512xi32, #tpu.memory_space<vmem>>
    %dma_wait3A_402 = tpu.memref_slice %arg2[%mul3A_2] : memref<16384xi32, #tpu.memory_space<hbm>> -> memref<512xi32, #tpu.memory_space<hbm>>
    tpu.wait_dma2 semaphore(%arg21 : memref<!tpu.dma_semaphore, #tpu.memory_space<semaphore_mem>>) src(%dma_wait3A_402 : memref<512xi32, #tpu.memory_space<hbm>>) dst(%dma_wait3A_401 : memref<512xi32, #tpu.memory_space<vmem>>)
    %dma_wait3A_403 = arith.constant 0 : i32
    %dma_wait3A_404 = tpu.memref_slice %arg11[%dma_wait3A_403] : memref<14336xi32, #tpu.memory_space<vmem>> -> memref<512xi32, #tpu.memory_space<vmem>>
    %dma_wait3A_405 = tpu.memref_slice %arg2[%mul3A_2] : memref<16384xi32, #tpu.memory_space<hbm>> -> memref<512xi32, #tpu.memory_space<hbm>>
    %dma_wait3A_406 = arith.constant 0 : i32
    %dma_wait3A_407 = tpu.memref_slice %arg11[%dma_wait3A_406] : memref<14336xi32, #tpu.memory_space<vmem>> -> memref<512xi32, #tpu.memory_space<vmem>>
    %dma_wait3A_408 = tpu.memref_slice %arg2[%mul3A_2] : memref<16384xi32, #tpu.memory_space<hbm>> -> memref<512xi32, #tpu.memory_space<hbm>>
    tpu.wait_dma2 semaphore(%arg21 : memref<!tpu.dma_semaphore, #tpu.memory_space<semaphore_mem>>) src(%dma_wait3A_408 : memref<512xi32, #tpu.memory_space<hbm>>) dst(%dma_wait3A_407 : memref<512xi32, #tpu.memory_space<vmem>>)
    %dma_wait3A_409 = arith.constant 0 : i32
    %dma_wait3A_410 = tpu.memref_slice %arg11[%dma_wait3A_409] : memref<14336xi32, #tpu.memory_space<vmem>> -> memref<512xi32, #tpu.memory_space<vmem>>
    %dma_wait3A_411 = tpu.memref_slice %arg2[%mul3A_2] : memref<16384xi32, #tpu.memory_space<hbm>> -> memref<512xi32, #tpu.memory_space<hbm>>
    %dma_wait3A_412 = arith.constant 0 : i32
    %dma_wait3A_413 = tpu.memref_slice %arg11[%dma_wait3A_412] : memref<14336xi32, #tpu.memory_space<vmem>> -> memref<512xi32, #tpu.memory_space<vmem>>
    %dma_wait3A_414 = tpu.memref_slice %arg2[%mul3A_2] : memref<16384xi32, #tpu.memory_space<hbm>> -> memref<512xi32, #tpu.memory_space<hbm>>
    tpu.wait_dma2 semaphore(%arg21 : memref<!tpu.dma_semaphore, #tpu.memory_space<semaphore_mem>>) src(%dma_wait3A_414 : memref<512xi32, #tpu.memory_space<hbm>>) dst(%dma_wait3A_413 : memref<512xi32, #tpu.memory_space<vmem>>)
    %dma_wait3A_415 = arith.constant 0 : i32
    %dma_wait3A_416 = tpu.memref_slice %arg11[%dma_wait3A_415] : memref<14336xi32, #tpu.memory_space<vmem>> -> memref<512xi32, #tpu.memory_space<vmem>>
    %dma_wait3A_417 = tpu.memref_slice %arg2[%mul3A_2] : memref<16384xi32, #tpu.memory_space<hbm>> -> memref<512xi32, #tpu.memory_space<hbm>>
    %dma_wait3A_418 = arith.constant 0 : i32
    %dma_wait3A_419 = tpu.memref_slice %arg11[%dma_wait3A_418] : memref<14336xi32, #tpu.memory_space<vmem>> -> memref<512xi32, #tpu.memory_space<vmem>>
    %dma_wait3A_420 = tpu.memref_slice %arg2[%mul3A_2] : memref<16384xi32, #tpu.memory_space<hbm>> -> memref<512xi32, #tpu.memory_space<hbm>>
    tpu.wait_dma2 semaphore(%arg21 : memref<!tpu.dma_semaphore, #tpu.memory_space<semaphore_mem>>) src(%dma_wait3A_420 : memref<512xi32, #tpu.memory_space<hbm>>) dst(%dma_wait3A_419 : memref<512xi32, #tpu.memory_space<vmem>>)
    %dma_wait3A_421 = arith.constant 0 : i32
    %dma_wait3A_422 = tpu.memref_slice %arg11[%dma_wait3A_421] : memref<14336xi32, #tpu.memory_space<vmem>> -> memref<512xi32, #tpu.memory_space<vmem>>
    %dma_wait3A_423 = tpu.memref_slice %arg2[%mul3A_2] : memref<16384xi32, #tpu.memory_space<hbm>> -> memref<512xi32, #tpu.memory_space<hbm>>
    %dma_wait3A_424 = arith.constant 0 : i32
    %dma_wait3A_425 = tpu.memref_slice %arg11[%dma_wait3A_424] : memref<14336xi32, #tpu.memory_space<vmem>> -> memref<512xi32, #tpu.memory_space<vmem>>
    %dma_wait3A_426 = tpu.memref_slice %arg2[%mul3A_2] : memref<16384xi32, #tpu.memory_space<hbm>> -> memref<512xi32, #tpu.memory_space<hbm>>
    tpu.wait_dma2 semaphore(%arg21 : memref<!tpu.dma_semaphore, #tpu.memory_space<semaphore_mem>>) src(%dma_wait3A_426 : memref<512xi32, #tpu.memory_space<hbm>>) dst(%dma_wait3A_425 : memref<512xi32, #tpu.memory_space<vmem>>)
    %dma_wait3A_427 = arith.constant 0 : i32
    %dma_wait3A_428 = tpu.memref_slice %arg11[%dma_wait3A_427] : memref<14336xi32, #tpu.memory_space<vmem>> -> memref<512xi32, #tpu.memory_space<vmem>>
    %dma_wait3A_429 = tpu.memref_slice %arg2[%mul3A_2] : memref<16384xi32, #tpu.memory_space<hbm>> -> memref<512xi32, #tpu.memory_space<hbm>>
    %dma_wait3A_430 = arith.constant 0 : i32
    %dma_wait3A_431 = tpu.memref_slice %arg11[%dma_wait3A_430] : memref<14336xi32, #tpu.memory_space<vmem>> -> memref<512xi32, #tpu.memory_space<vmem>>
    %dma_wait3A_432 = tpu.memref_slice %arg2[%mul3A_2] : memref<16384xi32, #tpu.memory_space<hbm>> -> memref<512xi32, #tpu.memory_space<hbm>>
    tpu.wait_dma2 semaphore(%arg21 : memref<!tpu.dma_semaphore, #tpu.memory_space<semaphore_mem>>) src(%dma_wait3A_432 : memref<512xi32, #tpu.memory_space<hbm>>) dst(%dma_wait3A_431 : memref<512xi32, #tpu.memory_space<vmem>>)
    %dma_wait3A_433 = arith.constant 0 : i32
    %dma_wait3A_434 = tpu.memref_slice %arg11[%dma_wait3A_433] : memref<14336xi32, #tpu.memory_space<vmem>> -> memref<512xi32, #tpu.memory_space<vmem>>
    %dma_wait3A_435 = tpu.memref_slice %arg2[%mul3A_2] : memref<16384xi32, #tpu.memory_space<hbm>> -> memref<512xi32, #tpu.memory_space<hbm>>
    %dma_wait3A_436 = arith.constant 0 : i32
    %dma_wait3A_437 = tpu.memref_slice %arg11[%dma_wait3A_436] : memref<14336xi32, #tpu.memory_space<vmem>> -> memref<512xi32, #tpu.memory_space<vmem>>
    %dma_wait3A_438 = tpu.memref_slice %arg2[%mul3A_2] : memref<16384xi32, #tpu.memory_space<hbm>> -> memref<512xi32, #tpu.memory_space<hbm>>
    tpu.wait_dma2 semaphore(%arg21 : memref<!tpu.dma_semaphore, #tpu.memory_space<semaphore_mem>>) src(%dma_wait3A_438 : memref<512xi32, #tpu.memory_space<hbm>>) dst(%dma_wait3A_437 : memref<512xi32, #tpu.memory_space<vmem>>)
    %dma_wait3A_439 = arith.constant 0 : i32
    %dma_wait3A_440 = tpu.memref_slice %arg11[%dma_wait3A_439] : memref<14336xi32, #tpu.memory_space<vmem>> -> memref<512xi32, #tpu.memory_space<vmem>>
    %dma_wait3A_441 = tpu.memref_slice %arg2[%mul3A_2] : memref<16384xi32, #tpu.memory_space<hbm>> -> memref<512xi32, #tpu.memory_space<hbm>>
    %dma_wait3A_442 = arith.constant 0 : i32
    %dma_wait3A_443 = tpu.memref_slice %arg11[%dma_wait3A_442] : memref<14336xi32, #tpu.memory_space<vmem>> -> memref<512xi32, #tpu.memory_space<vmem>>
    %dma_wait3A_444 = tpu.memref_slice %arg2[%mul3A_2] : memref<16384xi32, #tpu.memory_space<hbm>> -> memref<512xi32, #tpu.memory_space<hbm>>
    tpu.wait_dma2 semaphore(%arg21 : memref<!tpu.dma_semaphore, #tpu.memory_space<semaphore_mem>>) src(%dma_wait3A_444 : memref<512xi32, #tpu.memory_space<hbm>>) dst(%dma_wait3A_443 : memref<512xi32, #tpu.memory_space<vmem>>)
    %dma_wait3A_445 = arith.constant 0 : i32
    %dma_wait3A_446 = tpu.memref_slice %arg11[%dma_wait3A_445] : memref<14336xi32, #tpu.memory_space<vmem>> -> memref<512xi32, #tpu.memory_space<vmem>>
    %dma_wait3A_447 = tpu.memref_slice %arg2[%mul3A_2] : memref<16384xi32, #tpu.memory_space<hbm>> -> memref<512xi32, #tpu.memory_space<hbm>>
    %dma_wait3A_448 = arith.constant 0 : i32
    %dma_wait3A_449 = tpu.memref_slice %arg11[%dma_wait3A_448] : memref<14336xi32, #tpu.memory_space<vmem>> -> memref<512xi32, #tpu.memory_space<vmem>>
    %dma_wait3A_450 = tpu.memref_slice %arg2[%mul3A_2] : memref<16384xi32, #tpu.memory_space<hbm>> -> memref<512xi32, #tpu.memory_space<hbm>>
    tpu.wait_dma2 semaphore(%arg21 : memref<!tpu.dma_semaphore, #tpu.memory_space<semaphore_mem>>) src(%dma_wait3A_450 : memref<512xi32, #tpu.memory_space<hbm>>) dst(%dma_wait3A_449 : memref<512xi32, #tpu.memory_space<vmem>>)
    %dma_wait3A_451 = arith.constant 0 : i32
    %dma_wait3A_452 = tpu.memref_slice %arg11[%dma_wait3A_451] : memref<14336xi32, #tpu.memory_space<vmem>> -> memref<512xi32, #tpu.memory_space<vmem>>
    %dma_wait3A_453 = tpu.memref_slice %arg2[%mul3A_2] : memref<16384xi32, #tpu.memory_space<hbm>> -> memref<512xi32, #tpu.memory_space<hbm>>
    %dma_wait3A_454 = arith.constant 0 : i32
    %dma_wait3A_455 = tpu.memref_slice %arg11[%dma_wait3A_454] : memref<14336xi32, #tpu.memory_space<vmem>> -> memref<512xi32, #tpu.memory_space<vmem>>
    %dma_wait3A_456 = tpu.memref_slice %arg2[%mul3A_2] : memref<16384xi32, #tpu.memory_space<hbm>> -> memref<512xi32, #tpu.memory_space<hbm>>
    tpu.wait_dma2 semaphore(%arg21 : memref<!tpu.dma_semaphore, #tpu.memory_space<semaphore_mem>>) src(%dma_wait3A_456 : memref<512xi32, #tpu.memory_space<hbm>>) dst(%dma_wait3A_455 : memref<512xi32, #tpu.memory_space<vmem>>)
    %dma_wait3A_457 = arith.constant 0 : i32
    %dma_wait3A_458 = tpu.memref_slice %arg11[%dma_wait3A_457] : memref<14336xi32, #tpu.memory_space<vmem>> -> memref<512xi32, #tpu.memory_space<vmem>>
    %dma_wait3A_459 = tpu.memref_slice %arg2[%mul3A_2] : memref<16384xi32, #tpu.memory_space<hbm>> -> memref<512xi32, #tpu.memory_space<hbm>>
    %dma_wait3A_460 = arith.constant 0 : i32
    %dma_wait3A_461 = tpu.memref_slice %arg11[%dma_wait3A_460] : memref<14336xi32, #tpu.memory_space<vmem>> -> memref<512xi32, #tpu.memory_space<vmem>>
    %dma_wait3A_462 = tpu.memref_slice %arg2[%mul3A_2] : memref<16384xi32, #tpu.memory_space<hbm>> -> memref<512xi32, #tpu.memory_space<hbm>>
    tpu.wait_dma2 semaphore(%arg21 : memref<!tpu.dma_semaphore, #tpu.memory_space<semaphore_mem>>) src(%dma_wait3A_462 : memref<512xi32, #tpu.memory_space<hbm>>) dst(%dma_wait3A_461 : memref<512xi32, #tpu.memory_space<vmem>>)
    %dma_wait3A_463 = arith.constant 0 : i32
    %dma_wait3A_464 = tpu.memref_slice %arg11[%dma_wait3A_463] : memref<14336xi32, #tpu.memory_space<vmem>> -> memref<512xi32, #tpu.memory_space<vmem>>
    %dma_wait3A_465 = tpu.memref_slice %arg2[%mul3A_2] : memref<16384xi32, #tpu.memory_space<hbm>> -> memref<512xi32, #tpu.memory_space<hbm>>
    %dma_wait3A_466 = arith.constant 0 : i32
    %dma_wait3A_467 = tpu.memref_slice %arg11[%dma_wait3A_466] : memref<14336xi32, #tpu.memory_space<vmem>> -> memref<512xi32, #tpu.memory_space<vmem>>
    %dma_wait3A_468 = tpu.memref_slice %arg2[%mul3A_2] : memref<16384xi32, #tpu.memory_space<hbm>> -> memref<512xi32, #tpu.memory_space<hbm>>
    tpu.wait_dma2 semaphore(%arg21 : memref<!tpu.dma_semaphore, #tpu.memory_space<semaphore_mem>>) src(%dma_wait3A_468 : memref<512xi32, #tpu.memory_space<hbm>>) dst(%dma_wait3A_467 : memref<512xi32, #tpu.memory_space<vmem>>)
    %dma_wait3A_469 = arith.constant 0 : i32
    %dma_wait3A_470 = tpu.memref_slice %arg11[%dma_wait3A_469] : memref<14336xi32, #tpu.memory_space<vmem>> -> memref<512xi32, #tpu.memory_space<vmem>>
    %dma_wait3A_471 = tpu.memref_slice %arg2[%mul3A_2] : memref<16384xi32, #tpu.memory_space<hbm>> -> memref<512xi32, #tpu.memory_space<hbm>>
    %dma_wait3A_472 = arith.constant 0 : i32
    %dma_wait3A_473 = tpu.memref_slice %arg11[%dma_wait3A_472] : memref<14336xi32, #tpu.memory_space<vmem>> -> memref<512xi32, #tpu.memory_space<vmem>>
    %dma_wait3A_474 = tpu.memref_slice %arg2[%mul3A_2] : memref<16384xi32, #tpu.memory_space<hbm>> -> memref<512xi32, #tpu.memory_space<hbm>>
    tpu.wait_dma2 semaphore(%arg21 : memref<!tpu.dma_semaphore, #tpu.memory_space<semaphore_mem>>) src(%dma_wait3A_474 : memref<512xi32, #tpu.memory_space<hbm>>) dst(%dma_wait3A_473 : memref<512xi32, #tpu.memory_space<vmem>>)
    %add3A_475 = arith.constant 0 : i32
    %add3A_476 = arith.addi %mul3A_2, %add3A_475 : i32
    %dma_wait3A_477 = arith.constant 512 : i32
    %dma_wait3A_478 = tpu.memref_slice %arg11[%dma_wait3A_477] : memref<14336xi32, #tpu.memory_space<vmem>> -> memref<256xi32, #tpu.memory_space<vmem>>
    %dma_wait3A_479 = arith.constant 0 : i32
    %dma_wait3A_480 = arith.constant 0 : i32
    %dma_wait3A_481 = tpu.memref_slice %arg6[%dma_wait3A_479, %dma_wait3A_480] : memref<100000x128xf32, #tpu.memory_space<hbm>> -> memref<100000x128xf32, #tpu.memory_space<hbm>>
    tpu.wait_indirect_dma semaphore(%arg17 : memref<!tpu.dma_semaphore, #tpu.memory_space<semaphore_mem>>) src(%dma_wait3A_481 : memref<100000x128xf32, #tpu.memory_space<hbm>>) dst(%arg14 : memref<256x128xf32, #tpu.memory_space<vmem>>)
    %add3A_482 = arith.constant 0 : i32
    %add3A_483 = arith.addi %mul3A_2, %add3A_482 : i32
    %dma_start3A_484 = arith.constant 0 : i32
    %dma_start3A_485 = tpu.memref_slice %arg9[%add3A_483, %dma_start3A_484] : memref<16384x128xf32, #tpu.memory_space<hbm>> -> memref<256x128xf32, #tpu.memory_space<hbm>>
    %dma_start3A_486 = arith.constant 0 : i32
    %dma_start3A_487 = tpu.memref_slice %arg9[%add3A_483, %dma_start3A_486] : memref<16384x128xf32, #tpu.memory_space<hbm>> -> memref<256x128xf32, #tpu.memory_space<hbm>>
    tpu.enqueue_dma source(%arg14 : memref<256x128xf32, #tpu.memory_space<vmem>>) target(%dma_start3A_487 : memref<256x128xf32, #tpu.memory_space<hbm>>) target_semaphore(%arg20 : memref<!tpu.dma_semaphore, #tpu.memory_space<semaphore_mem>>)
    %add3A_488 = arith.constant 256 : i32
    %add3A_489 = arith.addi %mul3A_2, %add3A_488 : i32
    %dma_wait3A_490 = arith.constant 0 : i32
    %dma_wait3A_491 = tpu.memref_slice %arg8[%add3A_489, %dma_wait3A_490] : memref<16384x128xf32, #tpu.memory_space<hbm>> -> memref<256x128xf32, #tpu.memory_space<hbm>>
    %dma_wait3A_492 = arith.constant 0 : i32
    %dma_wait3A_493 = tpu.memref_slice %arg8[%add3A_489, %dma_wait3A_492] : memref<16384x128xf32, #tpu.memory_space<hbm>> -> memref<256x128xf32, #tpu.memory_space<hbm>>
    tpu.wait_dma2 semaphore(%arg19 : memref<!tpu.dma_semaphore, #tpu.memory_space<semaphore_mem>>) src(%arg13 : memref<256x128xf32, #tpu.memory_space<vmem>>) dst(%dma_wait3A_493 : memref<256x128xf32, #tpu.memory_space<hbm>>)
    %add3A_494 = arith.constant 0 : i32
    %add3A_495 = arith.addi %add3A_494, %mul3A_2 : i32
    %add3A_496 = arith.constant 0 : i32
    %add3A_497 = arith.addi %add3A_495, %add3A_496 : i32
    %dma_start3A_498 = arith.constant 1024 : i32
    %dma_start3A_499 = tpu.memref_slice %arg11[%dma_start3A_498] : memref<14336xi32, #tpu.memory_space<vmem>> -> memref<256xi32, #tpu.memory_space<vmem>>
    %dma_start3A_500 = arith.constant 0 : i32
    %dma_start3A_501 = arith.constant 0 : i32
    %dma_start3A_502 = tpu.memref_slice %arg7[%dma_start3A_500, %dma_start3A_501] : memref<100000x128xf32, #tpu.memory_space<hbm>> -> memref<100000x128xf32, #tpu.memory_space<hbm>>
    tpu.enqueue_indirect_dma source(%dma_start3A_502 : memref<100000x128xf32, #tpu.memory_space<hbm>>) target(%arg13 : memref<256x128xf32, #tpu.memory_space<vmem>>) offsets(%dma_start3A_499 : memref<256xi32, #tpu.memory_space<vmem>>) semaphore(%arg16 : memref<!tpu.dma_semaphore, #tpu.memory_space<semaphore_mem>>)
    %add3A_503 = arith.constant 256 : i32
    %add3A_504 = arith.addi %mul3A_2, %add3A_503 : i32
    %dma_wait3A_505 = arith.constant 768 : i32
    %dma_wait3A_506 = tpu.memref_slice %arg11[%dma_wait3A_505] : memref<14336xi32, #tpu.memory_space<vmem>> -> memref<256xi32, #tpu.memory_space<vmem>>
    %dma_wait3A_507 = arith.constant 0 : i32
    %dma_wait3A_508 = arith.constant 0 : i32
    %dma_wait3A_509 = tpu.memref_slice %arg6[%dma_wait3A_507, %dma_wait3A_508] : memref<100000x128xf32, #tpu.memory_space<hbm>> -> memref<100000x128xf32, #tpu.memory_space<hbm>>
    tpu.wait_indirect_dma semaphore(%arg15 : memref<!tpu.dma_semaphore, #tpu.memory_space<semaphore_mem>>) src(%dma_wait3A_509 : memref<100000x128xf32, #tpu.memory_space<hbm>>) dst(%arg12 : memref<256x128xf32, #tpu.memory_space<vmem>>)
    %add3A_510 = arith.constant 256 : i32
    %add3A_511 = arith.addi %mul3A_2, %add3A_510 : i32
    %dma_start3A_512 = arith.constant 0 : i32
    %dma_start3A_513 = tpu.memref_slice %arg9[%add3A_511, %dma_start3A_512] : memref<16384x128xf32, #tpu.memory_space<hbm>> -> memref<256x128xf32, #tpu.memory_space<hbm>>
    %dma_start3A_514 = arith.constant 0 : i32
    %dma_start3A_515 = tpu.memref_slice %arg9[%add3A_511, %dma_start3A_514] : memref<16384x128xf32, #tpu.memory_space<hbm>> -> memref<256x128xf32, #tpu.memory_space<hbm>>
    tpu.enqueue_dma source(%arg12 : memref<256x128xf32, #tpu.memory_space<vmem>>) target(%dma_start3A_515 : memref<256x128xf32, #tpu.memory_space<hbm>>) target_semaphore(%arg18 : memref<!tpu.dma_semaphore, #tpu.memory_space<semaphore_mem>>)
    %add3A_516 = arith.constant 0 : i32
    %add3A_517 = arith.addi %mul3A_2, %add3A_516 : i32
    %dma_wait3A_518 = arith.constant 0 : i32
    %dma_wait3A_519 = tpu.memref_slice %arg9[%add3A_517, %dma_wait3A_518] : memref<16384x128xf32, #tpu.memory_space<hbm>> -> memref<256x128xf32, #tpu.memory_space<hbm>>
    %dma_wait3A_520 = arith.constant 0 : i32
    %dma_wait3A_521 = tpu.memref_slice %arg9[%add3A_517, %dma_wait3A_520] : memref<16384x128xf32, #tpu.memory_space<hbm>> -> memref<256x128xf32, #tpu.memory_space<hbm>>
    tpu.wait_dma2 semaphore(%arg20 : memref<!tpu.dma_semaphore, #tpu.memory_space<semaphore_mem>>) src(%arg14 : memref<256x128xf32, #tpu.memory_space<vmem>>) dst(%dma_wait3A_521 : memref<256x128xf32, #tpu.memory_space<hbm>>)
    %add3A_522 = arith.constant 0 : i32
    %add3A_523 = arith.addi %add3A_522, %mul3A_2 : i32
    %add3A_524 = arith.constant 256 : i32
    %add3A_525 = arith.addi %add3A_523, %add3A_524 : i32
    %dma_start3A_526 = arith.constant 1280 : i32
    %dma_start3A_527 = tpu.memref_slice %arg11[%dma_start3A_526] : memref<14336xi32, #tpu.memory_space<vmem>> -> memref<256xi32, #tpu.memory_space<vmem>>
    %dma_start3A_528 = arith.constant 0 : i32
    %dma_start3A_529 = arith.constant 0 : i32
    %dma_start3A_530 = tpu.memref_slice %arg7[%dma_start3A_528, %dma_start3A_529] : memref<100000x128xf32, #tpu.memory_space<hbm>> -> memref<100000x128xf32, #tpu.memory_space<hbm>>
    tpu.enqueue_indirect_dma source(%dma_start3A_530 : memref<100000x128xf32, #tpu.memory_space<hbm>>) target(%arg14 : memref<256x128xf32, #tpu.memory_space<vmem>>) offsets(%dma_start3A_527 : memref<256xi32, #tpu.memory_space<vmem>>) semaphore(%arg17 : memref<!tpu.dma_semaphore, #tpu.memory_space<semaphore_mem>>)
    %add3A_531 = arith.constant 0 : i32
    %add3A_532 = arith.addi %add3A_531, %mul3A_2 : i32
    %add3A_533 = arith.constant 0 : i32
    %add3A_534 = arith.addi %add3A_532, %add3A_533 : i32
    %dma_wait3A_535 = arith.constant 1024 : i32
    %dma_wait3A_536 = tpu.memref_slice %arg11[%dma_wait3A_535] : memref<14336xi32, #tpu.memory_space<vmem>> -> memref<256xi32, #tpu.memory_space<vmem>>
    %dma_wait3A_537 = arith.constant 0 : i32
    %dma_wait3A_538 = arith.constant 0 : i32
    %dma_wait3A_539 = tpu.memref_slice %arg7[%dma_wait3A_537, %dma_wait3A_538] : memref<100000x128xf32, #tpu.memory_space<hbm>> -> memref<100000x128xf32, #tpu.memory_space<hbm>>
    tpu.wait_indirect_dma semaphore(%arg16 : memref<!tpu.dma_semaphore, #tpu.memory_space<semaphore_mem>>) src(%dma_wait3A_539 : memref<100000x128xf32, #tpu.memory_space<hbm>>) dst(%arg13 : memref<256x128xf32, #tpu.memory_space<vmem>>)
    %add3A_540 = arith.constant 0 : i32
    %add3A_541 = arith.addi %add3A_540, %mul3A_2 : i32
    %add3A_542 = arith.constant 0 : i32
    %add3A_543 = arith.addi %add3A_541, %add3A_542 : i32
    %dma_start3A_544 = arith.constant 0 : i32
    %dma_start3A_545 = tpu.memref_slice %arg10[%add3A_543, %dma_start3A_544] : memref<425984x128xf32, #tpu.memory_space<hbm>> -> memref<256x128xf32, #tpu.memory_space<hbm>>
    %dma_start3A_546 = arith.constant 0 : i32
    %dma_start3A_547 = tpu.memref_slice %arg10[%add3A_543, %dma_start3A_546] : memref<425984x128xf32, #tpu.memory_space<hbm>> -> memref<256x128xf32, #tpu.memory_space<hbm>>
    tpu.enqueue_dma source(%arg13 : memref<256x128xf32, #tpu.memory_space<vmem>>) target(%dma_start3A_547 : memref<256x128xf32, #tpu.memory_space<hbm>>) target_semaphore(%arg19 : memref<!tpu.dma_semaphore, #tpu.memory_space<semaphore_mem>>)
    %add3A_548 = arith.constant 256 : i32
    %add3A_549 = arith.addi %mul3A_2, %add3A_548 : i32
    %dma_wait3A_550 = arith.constant 0 : i32
    %dma_wait3A_551 = tpu.memref_slice %arg9[%add3A_549, %dma_wait3A_550] : memref<16384x128xf32, #tpu.memory_space<hbm>> -> memref<256x128xf32, #tpu.memory_space<hbm>>
    %dma_wait3A_552 = arith.constant 0 : i32
    %dma_wait3A_553 = tpu.memref_slice %arg9[%add3A_549, %dma_wait3A_552] : memref<16384x128xf32, #tpu.memory_space<hbm>> -> memref<256x128xf32, #tpu.memory_space<hbm>>
    tpu.wait_dma2 semaphore(%arg18 : memref<!tpu.dma_semaphore, #tpu.memory_space<semaphore_mem>>) src(%arg12 : memref<256x128xf32, #tpu.memory_space<vmem>>) dst(%dma_wait3A_553 : memref<256x128xf32, #tpu.memory_space<hbm>>)
    %add3A_554 = arith.constant 16384 : i32
    %add3A_555 = arith.addi %add3A_554, %mul3A_2 : i32
    %add3A_556 = arith.constant 0 : i32
    %add3A_557 = arith.addi %add3A_555, %add3A_556 : i32
    %dma_start3A_558 = arith.constant 1536 : i32
    %dma_start3A_559 = tpu.memref_slice %arg11[%dma_start3A_558] : memref<14336xi32, #tpu.memory_space<vmem>> -> memref<256xi32, #tpu.memory_space<vmem>>
    %dma_start3A_560 = arith.constant 0 : i32
    %dma_start3A_561 = arith.constant 0 : i32
    %dma_start3A_562 = tpu.memref_slice %arg7[%dma_start3A_560, %dma_start3A_561] : memref<100000x128xf32, #tpu.memory_space<hbm>> -> memref<100000x128xf32, #tpu.memory_space<hbm>>
    tpu.enqueue_indirect_dma source(%dma_start3A_562 : memref<100000x128xf32, #tpu.memory_space<hbm>>) target(%arg12 : memref<256x128xf32, #tpu.memory_space<vmem>>) offsets(%dma_start3A_559 : memref<256xi32, #tpu.memory_space<vmem>>) semaphore(%arg15 : memref<!tpu.dma_semaphore, #tpu.memory_space<semaphore_mem>>)
    %add3A_563 = arith.constant 0 : i32
    %add3A_564 = arith.addi %add3A_563, %mul3A_2 : i32
    %add3A_565 = arith.constant 256 : i32
    %add3A_566 = arith.addi %add3A_564, %add3A_565 : i32
    %dma_wait3A_567 = arith.constant 1280 : i32
    %dma_wait3A_568 = tpu.memref_slice %arg11[%dma_wait3A_567] : memref<14336xi32, #tpu.memory_space<vmem>> -> memref<256xi32, #tpu.memory_space<vmem>>
    %dma_wait3A_569 = arith.constant 0 : i32
    %dma_wait3A_570 = arith.constant 0 : i32
    %dma_wait3A_571 = tpu.memref_slice %arg7[%dma_wait3A_569, %dma_wait3A_570] : memref<100000x128xf32, #tpu.memory_space<hbm>> -> memref<100000x128xf32, #tpu.memory_space<hbm>>
    tpu.wait_indirect_dma semaphore(%arg17 : memref<!tpu.dma_semaphore, #tpu.memory_space<semaphore_mem>>) src(%dma_wait3A_571 : memref<100000x128xf32, #tpu.memory_space<hbm>>) dst(%arg14 : memref<256x128xf32, #tpu.memory_space<vmem>>)
    %add3A_572 = arith.constant 0 : i32
    %add3A_573 = arith.addi %add3A_572, %mul3A_2 : i32
    %add3A_574 = arith.constant 256 : i32
    %add3A_575 = arith.addi %add3A_573, %add3A_574 : i32
    %dma_start3A_576 = arith.constant 0 : i32
    %dma_start3A_577 = tpu.memref_slice %arg10[%add3A_575, %dma_start3A_576] : memref<425984x128xf32, #tpu.memory_space<hbm>> -> memref<256x128xf32, #tpu.memory_space<hbm>>
    %dma_start3A_578 = arith.constant 0 : i32
    %dma_start3A_579 = tpu.memref_slice %arg10[%add3A_575, %dma_start3A_578] : memref<425984x128xf32, #tpu.memory_space<hbm>> -> memref<256x128xf32, #tpu.memory_space<hbm>>
    tpu.enqueue_dma source(%arg14 : memref<256x128xf32, #tpu.memory_space<vmem>>) target(%dma_start3A_579 : memref<256x128xf32, #tpu.memory_space<hbm>>) target_semaphore(%arg20 : memref<!tpu.dma_semaphore, #tpu.memory_space<semaphore_mem>>)
    %add3A_580 = arith.constant 0 : i32
    %add3A_581 = arith.addi %add3A_580, %mul3A_2 : i32
    %add3A_582 = arith.constant 0 : i32
    %add3A_583 = arith.addi %add3A_581, %add3A_582 : i32
    %dma_wait3A_584 = arith.constant 0 : i32
    %dma_wait3A_585 = tpu.memref_slice %arg10[%add3A_583, %dma_wait3A_584] : memref<425984x128xf32, #tpu.memory_space<hbm>> -> memref<256x128xf32, #tpu.memory_space<hbm>>
    %dma_wait3A_586 = arith.constant 0 : i32
    %dma_wait3A_587 = tpu.memref_slice %arg10[%add3A_583, %dma_wait3A_586] : memref<425984x128xf32, #tpu.memory_space<hbm>> -> memref<256x128xf32, #tpu.memory_space<hbm>>
    tpu.wait_dma2 semaphore(%arg19 : memref<!tpu.dma_semaphore, #tpu.memory_space<semaphore_mem>>) src(%arg13 : memref<256x128xf32, #tpu.memory_space<vmem>>) dst(%dma_wait3A_587 : memref<256x128xf32, #tpu.memory_space<hbm>>)
    %add3A_588 = arith.constant 16384 : i32
    %add3A_589 = arith.addi %add3A_588, %mul3A_2 : i32
    %add3A_590 = arith.constant 256 : i32
    %add3A_591 = arith.addi %add3A_589, %add3A_590 : i32
    %dma_start3A_592 = arith.constant 1792 : i32
    %dma_start3A_593 = tpu.memref_slice %arg11[%dma_start3A_592] : memref<14336xi32, #tpu.memory_space<vmem>> -> memref<256xi32, #tpu.memory_space<vmem>>
    %dma_start3A_594 = arith.constant 0 : i32
    %dma_start3A_595 = arith.constant 0 : i32
    %dma_start3A_596 = tpu.memref_slice %arg7[%dma_start3A_594, %dma_start3A_595] : memref<100000x128xf32, #tpu.memory_space<hbm>> -> memref<100000x128xf32, #tpu.memory_space<hbm>>
    tpu.enqueue_indirect_dma source(%dma_start3A_596 : memref<100000x128xf32, #tpu.memory_space<hbm>>) target(%arg13 : memref<256x128xf32, #tpu.memory_space<vmem>>) offsets(%dma_start3A_593 : memref<256xi32, #tpu.memory_space<vmem>>) semaphore(%arg16 : memref<!tpu.dma_semaphore, #tpu.memory_space<semaphore_mem>>)
    %scan3A = arith.constant 0 : i32
    %scan3A_597 = arith.constant 0 : i32
    %scan3A_598 = arith.constant 16 : i32
    %scan3A_599 = arith.addi %scan3A_597, %scan3A_598 : i32
    %scan3A_600 = arith.constant 1 : i32
    scf.for %scan3A_660 = %scan3A_597 to %scan3A_599 step %scan3A_600  : i32 {
      %mul3A_661 = arith.constant 3 : i32
      %mul3A_662 = arith.muli %scan3A_660, %mul3A_661 : i32
      %add3A_663 = arith.constant 2 : i32
      %add3A_664 = arith.addi %add3A_663, %mul3A_662 : i32
      %add3A_665 = arith.constant 0 : i32
      %add3A_666 = arith.addi %add3A_664, %add3A_665 : i32
      %jit3A = arith.constant 2 : i32
      %div3A = arith.divsi %add3A_666, %jit3A : i32
      %sign3A = arith.constant 0 : i32
      %sign3A_667 = arith.cmpi sgt, %add3A_666, %sign3A : i32
      %sign3A_668 = arith.extui %sign3A_667 : i1 to i32
      %sign3A_669 = arith.constant 0 : i32
      %sign3A_670 = arith.cmpi slt, %add3A_666, %sign3A_669 : i32
      %sign3A_671 = arith.extui %sign3A_670 : i1 to i32
      %sign3A_672 = arith.subi %sign3A_668, %sign3A_671 : i32
      %sign3A_673 = arith.constant 0 : i32
      %sign3A_674 = arith.cmpi sgt, %jit3A, %sign3A_673 : i32
      %sign3A_675 = arith.extui %sign3A_674 : i1 to i32
      %sign3A_676 = arith.constant 0 : i32
      %sign3A_677 = arith.cmpi slt, %jit3A, %sign3A_676 : i32
      %sign3A_678 = arith.extui %sign3A_677 : i1 to i32
      %sign3A_679 = arith.subi %sign3A_675, %sign3A_678 : i32
      %ne3A = arith.cmpi ne, %sign3A_672, %sign3A_679 : i32
      %rem3A = arith.remsi %add3A_666, %jit3A : i32
      %ne3A_680 = arith.constant 0 : i32
      %ne3A_681 = arith.cmpi ne, %rem3A, %ne3A_680 : i32
      %and3A = arith.andi %ne3A, %ne3A_681 : i1
      %sub3A = arith.constant 1 : i32
      %sub3A_682 = arith.subi %div3A, %sub3A : i32
      %select_n3A = arith.select %and3A, %sub3A_682, %div3A : i32
      %jit3A_683 = arith.constant 2 : i32
      %eq3A = arith.constant 0 : i32
      %eq3A_684 = arith.cmpi eq, %jit3A_683, %eq3A : i32
      %jit3A_685 = arith.constant 1 : i32
      %select_n3A_686 = arith.select %eq3A_684, %jit3A_685, %jit3A_683 : i32
      %rem3A_687 = arith.remsi %add3A_666, %select_n3A_686 : i32
      %ne3A_688 = arith.constant 0 : i32
      %ne3A_689 = arith.cmpi ne, %rem3A_687, %ne3A_688 : i32
      %lt3A = arith.constant 0 : i32
      %lt3A_690 = arith.cmpi slt, %rem3A_687, %lt3A : i32
      %lt3A_691 = arith.constant 0 : i32
      %lt3A_692 = arith.cmpi slt, %select_n3A_686, %lt3A_691 : i32
      %ne3A_693 = arith.xori %lt3A_690, %lt3A_692 : i1
      %and3A_694 = arith.andi %ne3A_693, %ne3A_689 : i1
      %add3A_695 = arith.addi %rem3A_687, %select_n3A_686 : i32
      %select_n3A_696 = arith.select %and3A_694, %add3A_695, %rem3A_687 : i32
      %mul3A_697 = arith.constant 256 : i32
      %mul3A_698 = arith.muli %add3A_666, %mul3A_697 : i32
      %add3A_699 = arith.constant 1024 : i32
      %add3A_700 = arith.addi %add3A_699, %mul3A_698 : i32
      %mul3A_701 = arith.constant 16384 : i32
      %mul3A_702 = arith.muli %select_n3A, %mul3A_701 : i32
      %add3A_703 = arith.addi %mul3A_702, %mul3A_2 : i32
      %mul3A_704 = arith.constant 256 : i32
      %mul3A_705 = arith.muli %select_n3A_696, %mul3A_704 : i32
      %add3A_706 = arith.addi %add3A_703, %mul3A_705 : i32
      %dma_wait3A_707 = tpu.memref_slice %arg11[%add3A_700] : memref<14336xi32, #tpu.memory_space<vmem>> -> memref<256xi32, #tpu.memory_space<vmem>>
      %dma_wait3A_708 = arith.constant 0 : i32
      %dma_wait3A_709 = arith.constant 0 : i32
      %dma_wait3A_710 = tpu.memref_slice %arg7[%dma_wait3A_708, %dma_wait3A_709] : memref<100000x128xf32, #tpu.memory_space<hbm>> -> memref<100000x128xf32, #tpu.memory_space<hbm>>
      tpu.wait_indirect_dma semaphore(%arg15 : memref<!tpu.dma_semaphore, #tpu.memory_space<semaphore_mem>>) src(%dma_wait3A_710 : memref<100000x128xf32, #tpu.memory_space<hbm>>) dst(%arg12 : memref<256x128xf32, #tpu.memory_space<vmem>>)
      %jit3A_711 = arith.constant 2 : i32
      %div3A_712 = arith.divsi %add3A_666, %jit3A_711 : i32
      %sign3A_713 = arith.constant 0 : i32
      %sign3A_714 = arith.cmpi sgt, %add3A_666, %sign3A_713 : i32
      %sign3A_715 = arith.extui %sign3A_714 : i1 to i32
      %sign3A_716 = arith.constant 0 : i32
      %sign3A_717 = arith.cmpi slt, %add3A_666, %sign3A_716 : i32
      %sign3A_718 = arith.extui %sign3A_717 : i1 to i32
      %sign3A_719 = arith.subi %sign3A_715, %sign3A_718 : i32
      %sign3A_720 = arith.constant 0 : i32
      %sign3A_721 = arith.cmpi sgt, %jit3A_711, %sign3A_720 : i32
      %sign3A_722 = arith.extui %sign3A_721 : i1 to i32
      %sign3A_723 = arith.constant 0 : i32
      %sign3A_724 = arith.cmpi slt, %jit3A_711, %sign3A_723 : i32
      %sign3A_725 = arith.extui %sign3A_724 : i1 to i32
      %sign3A_726 = arith.subi %sign3A_722, %sign3A_725 : i32
      %ne3A_727 = arith.cmpi ne, %sign3A_719, %sign3A_726 : i32
      %rem3A_728 = arith.remsi %add3A_666, %jit3A_711 : i32
      %ne3A_729 = arith.constant 0 : i32
      %ne3A_730 = arith.cmpi ne, %rem3A_728, %ne3A_729 : i32
      %and3A_731 = arith.andi %ne3A_727, %ne3A_730 : i1
      %sub3A_732 = arith.constant 1 : i32
      %sub3A_733 = arith.subi %div3A_712, %sub3A_732 : i32
      %select_n3A_734 = arith.select %and3A_731, %sub3A_733, %div3A_712 : i32
      %jit3A_735 = arith.constant 2 : i32
      %eq3A_736 = arith.constant 0 : i32
      %eq3A_737 = arith.cmpi eq, %jit3A_735, %eq3A_736 : i32
      %jit3A_738 = arith.constant 1 : i32
      %select_n3A_739 = arith.select %eq3A_737, %jit3A_738, %jit3A_735 : i32
      %rem3A_740 = arith.remsi %add3A_666, %select_n3A_739 : i32
      %ne3A_741 = arith.constant 0 : i32
      %ne3A_742 = arith.cmpi ne, %rem3A_740, %ne3A_741 : i32
      %lt3A_743 = arith.constant 0 : i32
      %lt3A_744 = arith.cmpi slt, %rem3A_740, %lt3A_743 : i32
      %lt3A_745 = arith.constant 0 : i32
      %lt3A_746 = arith.cmpi slt, %select_n3A_739, %lt3A_745 : i32
      %ne3A_747 = arith.xori %lt3A_744, %lt3A_746 : i1
      %and3A_748 = arith.andi %ne3A_747, %ne3A_742 : i1
      %add3A_749 = arith.addi %rem3A_740, %select_n3A_739 : i32
      %select_n3A_750 = arith.select %and3A_748, %add3A_749, %rem3A_740 : i32
      %mul3A_751 = arith.constant 256 : i32
      %mul3A_752 = arith.muli %add3A_666, %mul3A_751 : i32
      %add3A_753 = arith.constant 1024 : i32
      %add3A_754 = arith.addi %add3A_753, %mul3A_752 : i32
      %mul3A_755 = arith.constant 16384 : i32
      %mul3A_756 = arith.muli %select_n3A_734, %mul3A_755 : i32
      %add3A_757 = arith.addi %mul3A_756, %mul3A_2 : i32
      %mul3A_758 = arith.constant 256 : i32
      %mul3A_759 = arith.muli %select_n3A_750, %mul3A_758 : i32
      %add3A_760 = arith.addi %add3A_757, %mul3A_759 : i32
      %dma_start3A_761 = arith.constant 0 : i32
      %dma_start3A_762 = tpu.memref_slice %arg10[%add3A_760, %dma_start3A_761] : memref<425984x128xf32, #tpu.memory_space<hbm>> -> memref<256x128xf32, #tpu.memory_space<hbm>>
      %dma_start3A_763 = arith.constant 0 : i32
      %dma_start3A_764 = tpu.memref_slice %arg10[%add3A_760, %dma_start3A_763] : memref<425984x128xf32, #tpu.memory_space<hbm>> -> memref<256x128xf32, #tpu.memory_space<hbm>>
      tpu.enqueue_dma source(%arg12 : memref<256x128xf32, #tpu.memory_space<vmem>>) target(%dma_start3A_764 : memref<256x128xf32, #tpu.memory_space<hbm>>) target_semaphore(%arg18 : memref<!tpu.dma_semaphore, #tpu.memory_space<semaphore_mem>>)
      %sub3A_765 = arith.constant 1 : i32
      %sub3A_766 = arith.subi %add3A_666, %sub3A_765 : i32
      %jit3A_767 = arith.constant 2 : i32
      %div3A_768 = arith.divsi %sub3A_766, %jit3A_767 : i32
      %sign3A_769 = arith.constant 0 : i32
      %sign3A_770 = arith.cmpi sgt, %sub3A_766, %sign3A_769 : i32
      %sign3A_771 = arith.extui %sign3A_770 : i1 to i32
      %sign3A_772 = arith.constant 0 : i32
      %sign3A_773 = arith.cmpi slt, %sub3A_766, %sign3A_772 : i32
      %sign3A_774 = arith.extui %sign3A_773 : i1 to i32
      %sign3A_775 = arith.subi %sign3A_771, %sign3A_774 : i32
      %sign3A_776 = arith.constant 0 : i32
      %sign3A_777 = arith.cmpi sgt, %jit3A_767, %sign3A_776 : i32
      %sign3A_778 = arith.extui %sign3A_777 : i1 to i32
      %sign3A_779 = arith.constant 0 : i32
      %sign3A_780 = arith.cmpi slt, %jit3A_767, %sign3A_779 : i32
      %sign3A_781 = arith.extui %sign3A_780 : i1 to i32
      %sign3A_782 = arith.subi %sign3A_778, %sign3A_781 : i32
      %ne3A_783 = arith.cmpi ne, %sign3A_775, %sign3A_782 : i32
      %rem3A_784 = arith.remsi %sub3A_766, %jit3A_767 : i32
      %ne3A_785 = arith.constant 0 : i32
      %ne3A_786 = arith.cmpi ne, %rem3A_784, %ne3A_785 : i32
      %and3A_787 = arith.andi %ne3A_783, %ne3A_786 : i1
      %sub3A_788 = arith.constant 1 : i32
      %sub3A_789 = arith.subi %div3A_768, %sub3A_788 : i32
      %select_n3A_790 = arith.select %and3A_787, %sub3A_789, %div3A_768 : i32
      %jit3A_791 = arith.constant 2 : i32
      %eq3A_792 = arith.constant 0 : i32
      %eq3A_793 = arith.cmpi eq, %jit3A_791, %eq3A_792 : i32
      %jit3A_794 = arith.constant 1 : i32
      %select_n3A_795 = arith.select %eq3A_793, %jit3A_794, %jit3A_791 : i32
      %rem3A_796 = arith.remsi %sub3A_766, %select_n3A_795 : i32
      %ne3A_797 = arith.constant 0 : i32
      %ne3A_798 = arith.cmpi ne, %rem3A_796, %ne3A_797 : i32
      %lt3A_799 = arith.constant 0 : i32
      %lt3A_800 = arith.cmpi slt, %rem3A_796, %lt3A_799 : i32
      %lt3A_801 = arith.constant 0 : i32
      %lt3A_802 = arith.cmpi slt, %select_n3A_795, %lt3A_801 : i32
      %ne3A_803 = arith.xori %lt3A_800, %lt3A_802 : i1
      %and3A_804 = arith.andi %ne3A_803, %ne3A_798 : i1
      %add3A_805 = arith.addi %rem3A_796, %select_n3A_795 : i32
      %select_n3A_806 = arith.select %and3A_804, %add3A_805, %rem3A_796 : i32
      %mul3A_807 = arith.constant 256 : i32
      %mul3A_808 = arith.muli %sub3A_766, %mul3A_807 : i32
      %add3A_809 = arith.constant 1024 : i32
      %add3A_810 = arith.addi %add3A_809, %mul3A_808 : i32
      %mul3A_811 = arith.constant 16384 : i32
      %mul3A_812 = arith.muli %select_n3A_790, %mul3A_811 : i32
      %add3A_813 = arith.addi %mul3A_812, %mul3A_2 : i32
      %mul3A_814 = arith.constant 256 : i32
      %mul3A_815 = arith.muli %select_n3A_806, %mul3A_814 : i32
      %add3A_816 = arith.addi %add3A_813, %mul3A_815 : i32
      %dma_wait3A_817 = arith.constant 0 : i32
      %dma_wait3A_818 = tpu.memref_slice %arg10[%add3A_816, %dma_wait3A_817] : memref<425984x128xf32, #tpu.memory_space<hbm>> -> memref<256x128xf32, #tpu.memory_space<hbm>>
      %dma_wait3A_819 = arith.constant 0 : i32
      %dma_wait3A_820 = tpu.memref_slice %arg10[%add3A_816, %dma_wait3A_819] : memref<425984x128xf32, #tpu.memory_space<hbm>> -> memref<256x128xf32, #tpu.memory_space<hbm>>
      tpu.wait_dma2 semaphore(%arg20 : memref<!tpu.dma_semaphore, #tpu.memory_space<semaphore_mem>>) src(%arg14 : memref<256x128xf32, #tpu.memory_space<vmem>>) dst(%dma_wait3A_820 : memref<256x128xf32, #tpu.memory_space<hbm>>)
      %add3A_821 = arith.constant 2 : i32
      %add3A_822 = arith.addi %add3A_666, %add3A_821 : i32
      %jit3A_823 = arith.constant 2 : i32
      %div3A_824 = arith.divsi %add3A_822, %jit3A_823 : i32
      %sign3A_825 = arith.constant 0 : i32
      %sign3A_826 = arith.cmpi sgt, %add3A_822, %sign3A_825 : i32
      %sign3A_827 = arith.extui %sign3A_826 : i1 to i32
      %sign3A_828 = arith.constant 0 : i32
      %sign3A_829 = arith.cmpi slt, %add3A_822, %sign3A_828 : i32
      %sign3A_830 = arith.extui %sign3A_829 : i1 to i32
      %sign3A_831 = arith.subi %sign3A_827, %sign3A_830 : i32
      %sign3A_832 = arith.constant 0 : i32
      %sign3A_833 = arith.cmpi sgt, %jit3A_823, %sign3A_832 : i32
      %sign3A_834 = arith.extui %sign3A_833 : i1 to i32
      %sign3A_835 = arith.constant 0 : i32
      %sign3A_836 = arith.cmpi slt, %jit3A_823, %sign3A_835 : i32
      %sign3A_837 = arith.extui %sign3A_836 : i1 to i32
      %sign3A_838 = arith.subi %sign3A_834, %sign3A_837 : i32
      %ne3A_839 = arith.cmpi ne, %sign3A_831, %sign3A_838 : i32
      %rem3A_840 = arith.remsi %add3A_822, %jit3A_823 : i32
      %ne3A_841 = arith.constant 0 : i32
      %ne3A_842 = arith.cmpi ne, %rem3A_840, %ne3A_841 : i32
      %and3A_843 = arith.andi %ne3A_839, %ne3A_842 : i1
      %sub3A_844 = arith.constant 1 : i32
      %sub3A_845 = arith.subi %div3A_824, %sub3A_844 : i32
      %select_n3A_846 = arith.select %and3A_843, %sub3A_845, %div3A_824 : i32
      %jit3A_847 = arith.constant 2 : i32
      %eq3A_848 = arith.constant 0 : i32
      %eq3A_849 = arith.cmpi eq, %jit3A_847, %eq3A_848 : i32
      %jit3A_850 = arith.constant 1 : i32
      %select_n3A_851 = arith.select %eq3A_849, %jit3A_850, %jit3A_847 : i32
      %rem3A_852 = arith.remsi %add3A_822, %select_n3A_851 : i32
      %ne3A_853 = arith.constant 0 : i32
      %ne3A_854 = arith.cmpi ne, %rem3A_852, %ne3A_853 : i32
      %lt3A_855 = arith.constant 0 : i32
      %lt3A_856 = arith.cmpi slt, %rem3A_852, %lt3A_855 : i32
      %lt3A_857 = arith.constant 0 : i32
      %lt3A_858 = arith.cmpi slt, %select_n3A_851, %lt3A_857 : i32
      %ne3A_859 = arith.xori %lt3A_856, %lt3A_858 : i1
      %and3A_860 = arith.andi %ne3A_859, %ne3A_854 : i1
      %add3A_861 = arith.addi %rem3A_852, %select_n3A_851 : i32
      %select_n3A_862 = arith.select %and3A_860, %add3A_861, %rem3A_852 : i32
      %mul3A_863 = arith.constant 256 : i32
      %mul3A_864 = arith.muli %add3A_822, %mul3A_863 : i32
      %add3A_865 = arith.constant 1024 : i32
      %add3A_866 = arith.addi %add3A_865, %mul3A_864 : i32
      %mul3A_867 = arith.constant 16384 : i32
      %mul3A_868 = arith.muli %select_n3A_846, %mul3A_867 : i32
      %add3A_869 = arith.addi %mul3A_868, %mul3A_2 : i32
      %mul3A_870 = arith.constant 256 : i32
      %mul3A_871 = arith.muli %select_n3A_862, %mul3A_870 : i32
      %add3A_872 = arith.addi %add3A_869, %mul3A_871 : i32
      %dma_start3A_873 = tpu.memref_slice %arg11[%add3A_866] : memref<14336xi32, #tpu.memory_space<vmem>> -> memref<256xi32, #tpu.memory_space<vmem>>
      %dma_start3A_874 = arith.constant 0 : i32
      %dma_start3A_875 = arith.constant 0 : i32
      %dma_start3A_876 = tpu.memref_slice %arg7[%dma_start3A_874, %dma_start3A_875] : memref<100000x128xf32, #tpu.memory_space<hbm>> -> memref<100000x128xf32, #tpu.memory_space<hbm>>
      tpu.enqueue_indirect_dma source(%dma_start3A_876 : memref<100000x128xf32, #tpu.memory_space<hbm>>) target(%arg14 : memref<256x128xf32, #tpu.memory_space<vmem>>) offsets(%dma_start3A_873 : memref<256xi32, #tpu.memory_space<vmem>>) semaphore(%arg17 : memref<!tpu.dma_semaphore, #tpu.memory_space<semaphore_mem>>)
      %mul3A_877 = arith.constant 3 : i32
      %mul3A_878 = arith.muli %scan3A_660, %mul3A_877 : i32
      %add3A_879 = arith.constant 2 : i32
      %add3A_880 = arith.addi %add3A_879, %mul3A_878 : i32
      %add3A_881 = arith.constant 1 : i32
      %add3A_882 = arith.addi %add3A_880, %add3A_881 : i32
      %jit3A_883 = arith.constant 2 : i32
      %div3A_884 = arith.divsi %add3A_882, %jit3A_883 : i32
      %sign3A_885 = arith.constant 0 : i32
      %sign3A_886 = arith.cmpi sgt, %add3A_882, %sign3A_885 : i32
      %sign3A_887 = arith.extui %sign3A_886 : i1 to i32
      %sign3A_888 = arith.constant 0 : i32
      %sign3A_889 = arith.cmpi slt, %add3A_882, %sign3A_888 : i32
      %sign3A_890 = arith.extui %sign3A_889 : i1 to i32
      %sign3A_891 = arith.subi %sign3A_887, %sign3A_890 : i32
      %sign3A_892 = arith.constant 0 : i32
      %sign3A_893 = arith.cmpi sgt, %jit3A_883, %sign3A_892 : i32
      %sign3A_894 = arith.extui %sign3A_893 : i1 to i32
      %sign3A_895 = arith.constant 0 : i32
      %sign3A_896 = arith.cmpi slt, %jit3A_883, %sign3A_895 : i32
      %sign3A_897 = arith.extui %sign3A_896 : i1 to i32
      %sign3A_898 = arith.subi %sign3A_894, %sign3A_897 : i32
      %ne3A_899 = arith.cmpi ne, %sign3A_891, %sign3A_898 : i32
      %rem3A_900 = arith.remsi %add3A_882, %jit3A_883 : i32
      %ne3A_901 = arith.constant 0 : i32
      %ne3A_902 = arith.cmpi ne, %rem3A_900, %ne3A_901 : i32
      %and3A_903 = arith.andi %ne3A_899, %ne3A_902 : i1
      %sub3A_904 = arith.constant 1 : i32
      %sub3A_905 = arith.subi %div3A_884, %sub3A_904 : i32
      %select_n3A_906 = arith.select %and3A_903, %sub3A_905, %div3A_884 : i32
      %jit3A_907 = arith.constant 2 : i32
      %eq3A_908 = arith.constant 0 : i32
      %eq3A_909 = arith.cmpi eq, %jit3A_907, %eq3A_908 : i32
      %jit3A_910 = arith.constant 1 : i32
      %select_n3A_911 = arith.select %eq3A_909, %jit3A_910, %jit3A_907 : i32
      %rem3A_912 = arith.remsi %add3A_882, %select_n3A_911 : i32
      %ne3A_913 = arith.constant 0 : i32
      %ne3A_914 = arith.cmpi ne, %rem3A_912, %ne3A_913 : i32
      %lt3A_915 = arith.constant 0 : i32
      %lt3A_916 = arith.cmpi slt, %rem3A_912, %lt3A_915 : i32
      %lt3A_917 = arith.constant 0 : i32
      %lt3A_918 = arith.cmpi slt, %select_n3A_911, %lt3A_917 : i32
      %ne3A_919 = arith.xori %lt3A_916, %lt3A_918 : i1
      %and3A_920 = arith.andi %ne3A_919, %ne3A_914 : i1
      %add3A_921 = arith.addi %rem3A_912, %select_n3A_911 : i32
      %select_n3A_922 = arith.select %and3A_920, %add3A_921, %rem3A_912 : i32
      %mul3A_923 = arith.constant 256 : i32
      %mul3A_924 = arith.muli %add3A_882, %mul3A_923 : i32
      %add3A_925 = arith.constant 1024 : i32
      %add3A_926 = arith.addi %add3A_925, %mul3A_924 : i32
      %mul3A_927 = arith.constant 16384 : i32
      %mul3A_928 = arith.muli %select_n3A_906, %mul3A_927 : i32
      %add3A_929 = arith.addi %mul3A_928, %mul3A_2 : i32
      %mul3A_930 = arith.constant 256 : i32
      %mul3A_931 = arith.muli %select_n3A_922, %mul3A_930 : i32
      %add3A_932 = arith.addi %add3A_929, %mul3A_931 : i32
      %dma_wait3A_933 = tpu.memref_slice %arg11[%add3A_926] : memref<14336xi32, #tpu.memory_space<vmem>> -> memref<256xi32, #tpu.memory_space<vmem>>
      %dma_wait3A_934 = arith.constant 0 : i32
      %dma_wait3A_935 = arith.constant 0 : i32
      %dma_wait3A_936 = tpu.memref_slice %arg7[%dma_wait3A_934, %dma_wait3A_935] : memref<100000x128xf32, #tpu.memory_space<hbm>> -> memref<100000x128xf32, #tpu.memory_space<hbm>>
      tpu.wait_indirect_dma semaphore(%arg16 : memref<!tpu.dma_semaphore, #tpu.memory_space<semaphore_mem>>) src(%dma_wait3A_936 : memref<100000x128xf32, #tpu.memory_space<hbm>>) dst(%arg13 : memref<256x128xf32, #tpu.memory_space<vmem>>)
      %jit3A_937 = arith.constant 2 : i32
      %div3A_938 = arith.divsi %add3A_882, %jit3A_937 : i32
      %sign3A_939 = arith.constant 0 : i32
      %sign3A_940 = arith.cmpi sgt, %add3A_882, %sign3A_939 : i32
      %sign3A_941 = arith.extui %sign3A_940 : i1 to i32
      %sign3A_942 = arith.constant 0 : i32
      %sign3A_943 = arith.cmpi slt, %add3A_882, %sign3A_942 : i32
      %sign3A_944 = arith.extui %sign3A_943 : i1 to i32
      %sign3A_945 = arith.subi %sign3A_941, %sign3A_944 : i32
      %sign3A_946 = arith.constant 0 : i32
      %sign3A_947 = arith.cmpi sgt, %jit3A_937, %sign3A_946 : i32
      %sign3A_948 = arith.extui %sign3A_947 : i1 to i32
      %sign3A_949 = arith.constant 0 : i32
      %sign3A_950 = arith.cmpi slt, %jit3A_937, %sign3A_949 : i32
      %sign3A_951 = arith.extui %sign3A_950 : i1 to i32
      %sign3A_952 = arith.subi %sign3A_948, %sign3A_951 : i32
      %ne3A_953 = arith.cmpi ne, %sign3A_945, %sign3A_952 : i32
      %rem3A_954 = arith.remsi %add3A_882, %jit3A_937 : i32
      %ne3A_955 = arith.constant 0 : i32
      %ne3A_956 = arith.cmpi ne, %rem3A_954, %ne3A_955 : i32
      %and3A_957 = arith.andi %ne3A_953, %ne3A_956 : i1
      %sub3A_958 = arith.constant 1 : i32
      %sub3A_959 = arith.subi %div3A_938, %sub3A_958 : i32
      %select_n3A_960 = arith.select %and3A_957, %sub3A_959, %div3A_938 : i32
      %jit3A_961 = arith.constant 2 : i32
      %eq3A_962 = arith.constant 0 : i32
      %eq3A_963 = arith.cmpi eq, %jit3A_961, %eq3A_962 : i32
      %jit3A_964 = arith.constant 1 : i32
      %select_n3A_965 = arith.select %eq3A_963, %jit3A_964, %jit3A_961 : i32
      %rem3A_966 = arith.remsi %add3A_882, %select_n3A_965 : i32
      %ne3A_967 = arith.constant 0 : i32
      %ne3A_968 = arith.cmpi ne, %rem3A_966, %ne3A_967 : i32
      %lt3A_969 = arith.constant 0 : i32
      %lt3A_970 = arith.cmpi slt, %rem3A_966, %lt3A_969 : i32
      %lt3A_971 = arith.constant 0 : i32
      %lt3A_972 = arith.cmpi slt, %select_n3A_965, %lt3A_971 : i32
      %ne3A_973 = arith.xori %lt3A_970, %lt3A_972 : i1
      %and3A_974 = arith.andi %ne3A_973, %ne3A_968 : i1
      %add3A_975 = arith.addi %rem3A_966, %select_n3A_965 : i32
      %select_n3A_976 = arith.select %and3A_974, %add3A_975, %rem3A_966 : i32
      %mul3A_977 = arith.constant 256 : i32
      %mul3A_978 = arith.muli %add3A_882, %mul3A_977 : i32
      %add3A_979 = arith.constant 1024 : i32
      %add3A_980 = arith.addi %add3A_979, %mul3A_978 : i32
      %mul3A_981 = arith.constant 16384 : i32
      %mul3A_982 = arith.muli %select_n3A_960, %mul3A_981 : i32
      %add3A_983 = arith.addi %mul3A_982, %mul3A_2 : i32
      %mul3A_984 = arith.constant 256 : i32
      %mul3A_985 = arith.muli %select_n3A_976, %mul3A_984 : i32
      %add3A_986 = arith.addi %add3A_983, %mul3A_985 : i32
      %dma_start3A_987 = arith.constant 0 : i32
      %dma_start3A_988 = tpu.memref_slice %arg10[%add3A_986, %dma_start3A_987] : memref<425984x128xf32, #tpu.memory_space<hbm>> -> memref<256x128xf32, #tpu.memory_space<hbm>>
      %dma_start3A_989 = arith.constant 0 : i32
      %dma_start3A_990 = tpu.memref_slice %arg10[%add3A_986, %dma_start3A_989] : memref<425984x128xf32, #tpu.memory_space<hbm>> -> memref<256x128xf32, #tpu.memory_space<hbm>>
      tpu.enqueue_dma source(%arg13 : memref<256x128xf32, #tpu.memory_space<vmem>>) target(%dma_start3A_990 : memref<256x128xf32, #tpu.memory_space<hbm>>) target_semaphore(%arg19 : memref<!tpu.dma_semaphore, #tpu.memory_space<semaphore_mem>>)
      %sub3A_991 = arith.constant 1 : i32
      %sub3A_992 = arith.subi %add3A_882, %sub3A_991 : i32
      %jit3A_993 = arith.constant 2 : i32
      %div3A_994 = arith.divsi %sub3A_992, %jit3A_993 : i32
      %sign3A_995 = arith.constant 0 : i32
      %sign3A_996 = arith.cmpi sgt, %sub3A_992, %sign3A_995 : i32
      %sign3A_997 = arith.extui %sign3A_996 : i1 to i32
      %sign3A_998 = arith.constant 0 : i32
      %sign3A_999 = arith.cmpi slt, %sub3A_992, %sign3A_998 : i32
      %sign3A_1000 = arith.extui %sign3A_999 : i1 to i32
      %sign3A_1001 = arith.subi %sign3A_997, %sign3A_1000 : i32
      %sign3A_1002 = arith.constant 0 : i32
      %sign3A_1003 = arith.cmpi sgt, %jit3A_993, %sign3A_1002 : i32
      %sign3A_1004 = arith.extui %sign3A_1003 : i1 to i32
      %sign3A_1005 = arith.constant 0 : i32
      %sign3A_1006 = arith.cmpi slt, %jit3A_993, %sign3A_1005 : i32
      %sign3A_1007 = arith.extui %sign3A_1006 : i1 to i32
      %sign3A_1008 = arith.subi %sign3A_1004, %sign3A_1007 : i32
      %ne3A_1009 = arith.cmpi ne, %sign3A_1001, %sign3A_1008 : i32
      %rem3A_1010 = arith.remsi %sub3A_992, %jit3A_993 : i32
      %ne3A_1011 = arith.constant 0 : i32
      %ne3A_1012 = arith.cmpi ne, %rem3A_1010, %ne3A_1011 : i32
      %and3A_1013 = arith.andi %ne3A_1009, %ne3A_1012 : i1
      %sub3A_1014 = arith.constant 1 : i32
      %sub3A_1015 = arith.subi %div3A_994, %sub3A_1014 : i32
      %select_n3A_1016 = arith.select %and3A_1013, %sub3A_1015, %div3A_994 : i32
      %jit3A_1017 = arith.constant 2 : i32
      %eq3A_1018 = arith.constant 0 : i32
      %eq3A_1019 = arith.cmpi eq, %jit3A_1017, %eq3A_1018 : i32
      %jit3A_1020 = arith.constant 1 : i32
      %select_n3A_1021 = arith.select %eq3A_1019, %jit3A_1020, %jit3A_1017 : i32
      %rem3A_1022 = arith.remsi %sub3A_992, %select_n3A_1021 : i32
      %ne3A_1023 = arith.constant 0 : i32
      %ne3A_1024 = arith.cmpi ne, %rem3A_1022, %ne3A_1023 : i32
      %lt3A_1025 = arith.constant 0 : i32
      %lt3A_1026 = arith.cmpi slt, %rem3A_1022, %lt3A_1025 : i32
      %lt3A_1027 = arith.constant 0 : i32
      %lt3A_1028 = arith.cmpi slt, %select_n3A_1021, %lt3A_1027 : i32
      %ne3A_1029 = arith.xori %lt3A_1026, %lt3A_1028 : i1
      %and3A_1030 = arith.andi %ne3A_1029, %ne3A_1024 : i1
      %add3A_1031 = arith.addi %rem3A_1022, %select_n3A_1021 : i32
      %select_n3A_1032 = arith.select %and3A_1030, %add3A_1031, %rem3A_1022 : i32
      %mul3A_1033 = arith.constant 256 : i32
      %mul3A_1034 = arith.muli %sub3A_992, %mul3A_1033 : i32
      %add3A_1035 = arith.constant 1024 : i32
      %add3A_1036 = arith.addi %add3A_1035, %mul3A_1034 : i32
      %mul3A_1037 = arith.constant 16384 : i32
      %mul3A_1038 = arith.muli %select_n3A_1016, %mul3A_1037 : i32
      %add3A_1039 = arith.addi %mul3A_1038, %mul3A_2 : i32
      %mul3A_1040 = arith.constant 256 : i32
      %mul3A_1041 = arith.muli %select_n3A_1032, %mul3A_1040 : i32
      %add3A_1042 = arith.addi %add3A_1039, %mul3A_1041 : i32
      %dma_wait3A_1043 = arith.constant 0 : i32
      %dma_wait3A_1044 = tpu.memref_slice %arg10[%add3A_1042, %dma_wait3A_1043] : memref<425984x128xf32, #tpu.memory_space<hbm>> -> memref<256x128xf32, #tpu.memory_space<hbm>>
      %dma_wait3A_1045 = arith.constant 0 : i32
      %dma_wait3A_1046 = tpu.memref_slice %arg10[%add3A_1042, %dma_wait3A_1045] : memref<425984x128xf32, #tpu.memory_space<hbm>> -> memref<256x128xf32, #tpu.memory_space<hbm>>
      tpu.wait_dma2 semaphore(%arg18 : memref<!tpu.dma_semaphore, #tpu.memory_space<semaphore_mem>>) src(%arg12 : memref<256x128xf32, #tpu.memory_space<vmem>>) dst(%dma_wait3A_1046 : memref<256x128xf32, #tpu.memory_space<hbm>>)
      %add3A_1047 = arith.constant 2 : i32
      %add3A_1048 = arith.addi %add3A_882, %add3A_1047 : i32
      %jit3A_1049 = arith.constant 2 : i32
      %div3A_1050 = arith.divsi %add3A_1048, %jit3A_1049 : i32
      %sign3A_1051 = arith.constant 0 : i32
      %sign3A_1052 = arith.cmpi sgt, %add3A_1048, %sign3A_1051 : i32
      %sign3A_1053 = arith.extui %sign3A_1052 : i1 to i32
      %sign3A_1054 = arith.constant 0 : i32
      %sign3A_1055 = arith.cmpi slt, %add3A_1048, %sign3A_1054 : i32
      %sign3A_1056 = arith.extui %sign3A_1055 : i1 to i32
      %sign3A_1057 = arith.subi %sign3A_1053, %sign3A_1056 : i32
      %sign3A_1058 = arith.constant 0 : i32
      %sign3A_1059 = arith.cmpi sgt, %jit3A_1049, %sign3A_1058 : i32
      %sign3A_1060 = arith.extui %sign3A_1059 : i1 to i32
      %sign3A_1061 = arith.constant 0 : i32
      %sign3A_1062 = arith.cmpi slt, %jit3A_1049, %sign3A_1061 : i32
      %sign3A_1063 = arith.extui %sign3A_1062 : i1 to i32
      %sign3A_1064 = arith.subi %sign3A_1060, %sign3A_1063 : i32
      %ne3A_1065 = arith.cmpi ne, %sign3A_1057, %sign3A_1064 : i32
      %rem3A_1066 = arith.remsi %add3A_1048, %jit3A_1049 : i32
      %ne3A_1067 = arith.constant 0 : i32
      %ne3A_1068 = arith.cmpi ne, %rem3A_1066, %ne3A_1067 : i32
      %and3A_1069 = arith.andi %ne3A_1065, %ne3A_1068 : i1
      %sub3A_1070 = arith.constant 1 : i32
      %sub3A_1071 = arith.subi %div3A_1050, %sub3A_1070 : i32
      %select_n3A_1072 = arith.select %and3A_1069, %sub3A_1071, %div3A_1050 : i32
      %jit3A_1073 = arith.constant 2 : i32
      %eq3A_1074 = arith.constant 0 : i32
      %eq3A_1075 = arith.cmpi eq, %jit3A_1073, %eq3A_1074 : i32
      %jit3A_1076 = arith.constant 1 : i32
      %select_n3A_1077 = arith.select %eq3A_1075, %jit3A_1076, %jit3A_1073 : i32
      %rem3A_1078 = arith.remsi %add3A_1048, %select_n3A_1077 : i32
      %ne3A_1079 = arith.constant 0 : i32
      %ne3A_1080 = arith.cmpi ne, %rem3A_1078, %ne3A_1079 : i32
      %lt3A_1081 = arith.constant 0 : i32
      %lt3A_1082 = arith.cmpi slt, %rem3A_1078, %lt3A_1081 : i32
      %lt3A_1083 = arith.constant 0 : i32
      %lt3A_1084 = arith.cmpi slt, %select_n3A_1077, %lt3A_1083 : i32
      %ne3A_1085 = arith.xori %lt3A_1082, %lt3A_1084 : i1
      %and3A_1086 = arith.andi %ne3A_1085, %ne3A_1080 : i1
      %add3A_1087 = arith.addi %rem3A_1078, %select_n3A_1077 : i32
      %select_n3A_1088 = arith.select %and3A_1086, %add3A_1087, %rem3A_1078 : i32
      %mul3A_1089 = arith.constant 256 : i32
      %mul3A_1090 = arith.muli %add3A_1048, %mul3A_1089 : i32
      %add3A_1091 = arith.constant 1024 : i32
      %add3A_1092 = arith.addi %add3A_1091, %mul3A_1090 : i32
      %mul3A_1093 = arith.constant 16384 : i32
      %mul3A_1094 = arith.muli %select_n3A_1072, %mul3A_1093 : i32
      %add3A_1095 = arith.addi %mul3A_1094, %mul3A_2 : i32
      %mul3A_1096 = arith.constant 256 : i32
      %mul3A_1097 = arith.muli %select_n3A_1088, %mul3A_1096 : i32
      %add3A_1098 = arith.addi %add3A_1095, %mul3A_1097 : i32
      %dma_start3A_1099 = tpu.memref_slice %arg11[%add3A_1092] : memref<14336xi32, #tpu.memory_space<vmem>> -> memref<256xi32, #tpu.memory_space<vmem>>
      %dma_start3A_1100 = arith.constant 0 : i32
      %dma_start3A_1101 = arith.constant 0 : i32
      %dma_start3A_1102 = tpu.memref_slice %arg7[%dma_start3A_1100, %dma_start3A_1101] : memref<100000x128xf32, #tpu.memory_space<hbm>> -> memref<100000x128xf32, #tpu.memory_space<hbm>>
      tpu.enqueue_indirect_dma source(%dma_start3A_1102 : memref<100000x128xf32, #tpu.memory_space<hbm>>) target(%arg12 : memref<256x128xf32, #tpu.memory_space<vmem>>) offsets(%dma_start3A_1099 : memref<256xi32, #tpu.memory_space<vmem>>) semaphore(%arg15 : memref<!tpu.dma_semaphore, #tpu.memory_space<semaphore_mem>>)
      %mul3A_1103 = arith.constant 3 : i32
      %mul3A_1104 = arith.muli %scan3A_660, %mul3A_1103 : i32
      %add3A_1105 = arith.constant 2 : i32
      %add3A_1106 = arith.addi %add3A_1105, %mul3A_1104 : i32
      %add3A_1107 = arith.constant 2 : i32
      %add3A_1108 = arith.addi %add3A_1106, %add3A_1107 : i32
      %jit3A_1109 = arith.constant 2 : i32
      %div3A_1110 = arith.divsi %add3A_1108, %jit3A_1109 : i32
      %sign3A_1111 = arith.constant 0 : i32
      %sign3A_1112 = arith.cmpi sgt, %add3A_1108, %sign3A_1111 : i32
      %sign3A_1113 = arith.extui %sign3A_1112 : i1 to i32
      %sign3A_1114 = arith.constant 0 : i32
      %sign3A_1115 = arith.cmpi slt, %add3A_1108, %sign3A_1114 : i32
      %sign3A_1116 = arith.extui %sign3A_1115 : i1 to i32
      %sign3A_1117 = arith.subi %sign3A_1113, %sign3A_1116 : i32
      %sign3A_1118 = arith.constant 0 : i32
      %sign3A_1119 = arith.cmpi sgt, %jit3A_1109, %sign3A_1118 : i32
      %sign3A_1120 = arith.extui %sign3A_1119 : i1 to i32
      %sign3A_1121 = arith.constant 0 : i32
      %sign3A_1122 = arith.cmpi slt, %jit3A_1109, %sign3A_1121 : i32
      %sign3A_1123 = arith.extui %sign3A_1122 : i1 to i32
      %sign3A_1124 = arith.subi %sign3A_1120, %sign3A_1123 : i32
      %ne3A_1125 = arith.cmpi ne, %sign3A_1117, %sign3A_1124 : i32
      %rem3A_1126 = arith.remsi %add3A_1108, %jit3A_1109 : i32
      %ne3A_1127 = arith.constant 0 : i32
      %ne3A_1128 = arith.cmpi ne, %rem3A_1126, %ne3A_1127 : i32
      %and3A_1129 = arith.andi %ne3A_1125, %ne3A_1128 : i1
      %sub3A_1130 = arith.constant 1 : i32
      %sub3A_1131 = arith.subi %div3A_1110, %sub3A_1130 : i32
      %select_n3A_1132 = arith.select %and3A_1129, %sub3A_1131, %div3A_1110 : i32
      %jit3A_1133 = arith.constant 2 : i32
      %eq3A_1134 = arith.constant 0 : i32
      %eq3A_1135 = arith.cmpi eq, %jit3A_1133, %eq3A_1134 : i32
      %jit3A_1136 = arith.constant 1 : i32
      %select_n3A_1137 = arith.select %eq3A_1135, %jit3A_1136, %jit3A_1133 : i32
      %rem3A_1138 = arith.remsi %add3A_1108, %select_n3A_1137 : i32
      %ne3A_1139 = arith.constant 0 : i32
      %ne3A_1140 = arith.cmpi ne, %rem3A_1138, %ne3A_1139 : i32
      %lt3A_1141 = arith.constant 0 : i32
      %lt3A_1142 = arith.cmpi slt, %rem3A_1138, %lt3A_1141 : i32
      %lt3A_1143 = arith.constant 0 : i32
      %lt3A_1144 = arith.cmpi slt, %select_n3A_1137, %lt3A_1143 : i32
      %ne3A_1145 = arith.xori %lt3A_1142, %lt3A_1144 : i1
      %and3A_1146 = arith.andi %ne3A_1145, %ne3A_1140 : i1
      %add3A_1147 = arith.addi %rem3A_1138, %select_n3A_1137 : i32
      %select_n3A_1148 = arith.select %and3A_1146, %add3A_1147, %rem3A_1138 : i32
      %mul3A_1149 = arith.constant 256 : i32
      %mul3A_1150 = arith.muli %add3A_1108, %mul3A_1149 : i32
      %add3A_1151 = arith.constant 1024 : i32
      %add3A_1152 = arith.addi %add3A_1151, %mul3A_1150 : i32
      %mul3A_1153 = arith.constant 16384 : i32
      %mul3A_1154 = arith.muli %select_n3A_1132, %mul3A_1153 : i32
      %add3A_1155 = arith.addi %mul3A_1154, %mul3A_2 : i32
      %mul3A_1156 = arith.constant 256 : i32
      %mul3A_1157 = arith.muli %select_n3A_1148, %mul3A_1156 : i32
      %add3A_1158 = arith.addi %add3A_1155, %mul3A_1157 : i32
      %dma_wait3A_1159 = tpu.memref_slice %arg11[%add3A_1152] : memref<14336xi32, #tpu.memory_space<vmem>> -> memref<256xi32, #tpu.memory_space<vmem>>
      %dma_wait3A_1160 = arith.constant 0 : i32
      %dma_wait3A_1161 = arith.constant 0 : i32
      %dma_wait3A_1162 = tpu.memref_slice %arg7[%dma_wait3A_1160, %dma_wait3A_1161] : memref<100000x128xf32, #tpu.memory_space<hbm>> -> memref<100000x128xf32, #tpu.memory_space<hbm>>
      tpu.wait_indirect_dma semaphore(%arg17 : memref<!tpu.dma_semaphore, #tpu.memory_space<semaphore_mem>>) src(%dma_wait3A_1162 : memref<100000x128xf32, #tpu.memory_space<hbm>>) dst(%arg14 : memref<256x128xf32, #tpu.memory_space<vmem>>)
      %jit3A_1163 = arith.constant 2 : i32
      %div3A_1164 = arith.divsi %add3A_1108, %jit3A_1163 : i32
      %sign3A_1165 = arith.constant 0 : i32
      %sign3A_1166 = arith.cmpi sgt, %add3A_1108, %sign3A_1165 : i32
      %sign3A_1167 = arith.extui %sign3A_1166 : i1 to i32
      %sign3A_1168 = arith.constant 0 : i32
      %sign3A_1169 = arith.cmpi slt, %add3A_1108, %sign3A_1168 : i32
      %sign3A_1170 = arith.extui %sign3A_1169 : i1 to i32
      %sign3A_1171 = arith.subi %sign3A_1167, %sign3A_1170 : i32
      %sign3A_1172 = arith.constant 0 : i32
      %sign3A_1173 = arith.cmpi sgt, %jit3A_1163, %sign3A_1172 : i32
      %sign3A_1174 = arith.extui %sign3A_1173 : i1 to i32
      %sign3A_1175 = arith.constant 0 : i32
      %sign3A_1176 = arith.cmpi slt, %jit3A_1163, %sign3A_1175 : i32
      %sign3A_1177 = arith.extui %sign3A_1176 : i1 to i32
      %sign3A_1178 = arith.subi %sign3A_1174, %sign3A_1177 : i32
      %ne3A_1179 = arith.cmpi ne, %sign3A_1171, %sign3A_1178 : i32
      %rem3A_1180 = arith.remsi %add3A_1108, %jit3A_1163 : i32
      %ne3A_1181 = arith.constant 0 : i32
      %ne3A_1182 = arith.cmpi ne, %rem3A_1180, %ne3A_1181 : i32
      %and3A_1183 = arith.andi %ne3A_1179, %ne3A_1182 : i1
      %sub3A_1184 = arith.constant 1 : i32
      %sub3A_1185 = arith.subi %div3A_1164, %sub3A_1184 : i32
      %select_n3A_1186 = arith.select %and3A_1183, %sub3A_1185, %div3A_1164 : i32
      %jit3A_1187 = arith.constant 2 : i32
      %eq3A_1188 = arith.constant 0 : i32
      %eq3A_1189 = arith.cmpi eq, %jit3A_1187, %eq3A_1188 : i32
      %jit3A_1190 = arith.constant 1 : i32
      %select_n3A_1191 = arith.select %eq3A_1189, %jit3A_1190, %jit3A_1187 : i32
      %rem3A_1192 = arith.remsi %add3A_1108, %select_n3A_1191 : i32
      %ne3A_1193 = arith.constant 0 : i32
      %ne3A_1194 = arith.cmpi ne, %rem3A_1192, %ne3A_1193 : i32
      %lt3A_1195 = arith.constant 0 : i32
      %lt3A_1196 = arith.cmpi slt, %rem3A_1192, %lt3A_1195 : i32
      %lt3A_1197 = arith.constant 0 : i32
      %lt3A_1198 = arith.cmpi slt, %select_n3A_1191, %lt3A_1197 : i32
      %ne3A_1199 = arith.xori %lt3A_1196, %lt3A_1198 : i1
      %and3A_1200 = arith.andi %ne3A_1199, %ne3A_1194 : i1
      %add3A_1201 = arith.addi %rem3A_1192, %select_n3A_1191 : i32
      %select_n3A_1202 = arith.select %and3A_1200, %add3A_1201, %rem3A_1192 : i32
      %mul3A_1203 = arith.constant 256 : i32
      %mul3A_1204 = arith.muli %add3A_1108, %mul3A_1203 : i32
      %add3A_1205 = arith.constant 1024 : i32
      %add3A_1206 = arith.addi %add3A_1205, %mul3A_1204 : i32
      %mul3A_1207 = arith.constant 16384 : i32
      %mul3A_1208 = arith.muli %select_n3A_1186, %mul3A_1207 : i32
      %add3A_1209 = arith.addi %mul3A_1208, %mul3A_2 : i32
      %mul3A_1210 = arith.constant 256 : i32
      %mul3A_1211 = arith.muli %select_n3A_1202, %mul3A_1210 : i32
      %add3A_1212 = arith.addi %add3A_1209, %mul3A_1211 : i32
      %dma_start3A_1213 = arith.constant 0 : i32
      %dma_start3A_1214 = tpu.memref_slice %arg10[%add3A_1212, %dma_start3A_1213] : memref<425984x128xf32, #tpu.memory_space<hbm>> -> memref<256x128xf32, #tpu.memory_space<hbm>>
      %dma_start3A_1215 = arith.constant 0 : i32
      %dma_start3A_1216 = tpu.memref_slice %arg10[%add3A_1212, %dma_start3A_1215] : memref<425984x128xf32, #tpu.memory_space<hbm>> -> memref<256x128xf32, #tpu.memory_space<hbm>>
      tpu.enqueue_dma source(%arg14 : memref<256x128xf32, #tpu.memory_space<vmem>>) target(%dma_start3A_1216 : memref<256x128xf32, #tpu.memory_space<hbm>>) target_semaphore(%arg20 : memref<!tpu.dma_semaphore, #tpu.memory_space<semaphore_mem>>)
      %sub3A_1217 = arith.constant 1 : i32
      %sub3A_1218 = arith.subi %add3A_1108, %sub3A_1217 : i32
      %jit3A_1219 = arith.constant 2 : i32
      %div3A_1220 = arith.divsi %sub3A_1218, %jit3A_1219 : i32
      %sign3A_1221 = arith.constant 0 : i32
      %sign3A_1222 = arith.cmpi sgt, %sub3A_1218, %sign3A_1221 : i32
      %sign3A_1223 = arith.extui %sign3A_1222 : i1 to i32
      %sign3A_1224 = arith.constant 0 : i32
      %sign3A_1225 = arith.cmpi slt, %sub3A_1218, %sign3A_1224 : i32
      %sign3A_1226 = arith.extui %sign3A_1225 : i1 to i32
      %sign3A_1227 = arith.subi %sign3A_1223, %sign3A_1226 : i32
      %sign3A_1228 = arith.constant 0 : i32
      %sign3A_1229 = arith.cmpi sgt, %jit3A_1219, %sign3A_1228 : i32
      %sign3A_1230 = arith.extui %sign3A_1229 : i1 to i32
      %sign3A_1231 = arith.constant 0 : i32
      %sign3A_1232 = arith.cmpi slt, %jit3A_1219, %sign3A_1231 : i32
      %sign3A_1233 = arith.extui %sign3A_1232 : i1 to i32
      %sign3A_1234 = arith.subi %sign3A_1230, %sign3A_1233 : i32
      %ne3A_1235 = arith.cmpi ne, %sign3A_1227, %sign3A_1234 : i32
      %rem3A_1236 = arith.remsi %sub3A_1218, %jit3A_1219 : i32
      %ne3A_1237 = arith.constant 0 : i32
      %ne3A_1238 = arith.cmpi ne, %rem3A_1236, %ne3A_1237 : i32
      %and3A_1239 = arith.andi %ne3A_1235, %ne3A_1238 : i1
      %sub3A_1240 = arith.constant 1 : i32
      %sub3A_1241 = arith.subi %div3A_1220, %sub3A_1240 : i32
      %select_n3A_1242 = arith.select %and3A_1239, %sub3A_1241, %div3A_1220 : i32
      %jit3A_1243 = arith.constant 2 : i32
      %eq3A_1244 = arith.constant 0 : i32
      %eq3A_1245 = arith.cmpi eq, %jit3A_1243, %eq3A_1244 : i32
      %jit3A_1246 = arith.constant 1 : i32
      %select_n3A_1247 = arith.select %eq3A_1245, %jit3A_1246, %jit3A_1243 : i32
      %rem3A_1248 = arith.remsi %sub3A_1218, %select_n3A_1247 : i32
      %ne3A_1249 = arith.constant 0 : i32
      %ne3A_1250 = arith.cmpi ne, %rem3A_1248, %ne3A_1249 : i32
      %lt3A_1251 = arith.constant 0 : i32
      %lt3A_1252 = arith.cmpi slt, %rem3A_1248, %lt3A_1251 : i32
      %lt3A_1253 = arith.constant 0 : i32
      %lt3A_1254 = arith.cmpi slt, %select_n3A_1247, %lt3A_1253 : i32
      %ne3A_1255 = arith.xori %lt3A_1252, %lt3A_1254 : i1
      %and3A_1256 = arith.andi %ne3A_1255, %ne3A_1250 : i1
      %add3A_1257 = arith.addi %rem3A_1248, %select_n3A_1247 : i32
      %select_n3A_1258 = arith.select %and3A_1256, %add3A_1257, %rem3A_1248 : i32
      %mul3A_1259 = arith.constant 256 : i32
      %mul3A_1260 = arith.muli %sub3A_1218, %mul3A_1259 : i32
      %add3A_1261 = arith.constant 1024 : i32
      %add3A_1262 = arith.addi %add3A_1261, %mul3A_1260 : i32
      %mul3A_1263 = arith.constant 16384 : i32
      %mul3A_1264 = arith.muli %select_n3A_1242, %mul3A_1263 : i32
      %add3A_1265 = arith.addi %mul3A_1264, %mul3A_2 : i32
      %mul3A_1266 = arith.constant 256 : i32
      %mul3A_1267 = arith.muli %select_n3A_1258, %mul3A_1266 : i32
      %add3A_1268 = arith.addi %add3A_1265, %mul3A_1267 : i32
      %dma_wait3A_1269 = arith.constant 0 : i32
      %dma_wait3A_1270 = tpu.memref_slice %arg10[%add3A_1268, %dma_wait3A_1269] : memref<425984x128xf32, #tpu.memory_space<hbm>> -> memref<256x128xf32, #tpu.memory_space<hbm>>
      %dma_wait3A_1271 = arith.constant 0 : i32
      %dma_wait3A_1272 = tpu.memref_slice %arg10[%add3A_1268, %dma_wait3A_1271] : memref<425984x128xf32, #tpu.memory_space<hbm>> -> memref<256x128xf32, #tpu.memory_space<hbm>>
      tpu.wait_dma2 semaphore(%arg19 : memref<!tpu.dma_semaphore, #tpu.memory_space<semaphore_mem>>) src(%arg13 : memref<256x128xf32, #tpu.memory_space<vmem>>) dst(%dma_wait3A_1272 : memref<256x128xf32, #tpu.memory_space<hbm>>)
      %add3A_1273 = arith.constant 2 : i32
      %add3A_1274 = arith.addi %add3A_1108, %add3A_1273 : i32
      %jit3A_1275 = arith.constant 2 : i32
      %div3A_1276 = arith.divsi %add3A_1274, %jit3A_1275 : i32
      %sign3A_1277 = arith.constant 0 : i32
      %sign3A_1278 = arith.cmpi sgt, %add3A_1274, %sign3A_1277 : i32
      %sign3A_1279 = arith.extui %sign3A_1278 : i1 to i32
      %sign3A_1280 = arith.constant 0 : i32
      %sign3A_1281 = arith.cmpi slt, %add3A_1274, %sign3A_1280 : i32
      %sign3A_1282 = arith.extui %sign3A_1281 : i1 to i32
      %sign3A_1283 = arith.subi %sign3A_1279, %sign3A_1282 : i32
      %sign3A_1284 = arith.constant 0 : i32
      %sign3A_1285 = arith.cmpi sgt, %jit3A_1275, %sign3A_1284 : i32
      %sign3A_1286 = arith.extui %sign3A_1285 : i1 to i32
      %sign3A_1287 = arith.constant 0 : i32
      %sign3A_1288 = arith.cmpi slt, %jit3A_1275, %sign3A_1287 : i32
      %sign3A_1289 = arith.extui %sign3A_1288 : i1 to i32
      %sign3A_1290 = arith.subi %sign3A_1286, %sign3A_1289 : i32
      %ne3A_1291 = arith.cmpi ne, %sign3A_1283, %sign3A_1290 : i32
      %rem3A_1292 = arith.remsi %add3A_1274, %jit3A_1275 : i32
      %ne3A_1293 = arith.constant 0 : i32
      %ne3A_1294 = arith.cmpi ne, %rem3A_1292, %ne3A_1293 : i32
      %and3A_1295 = arith.andi %ne3A_1291, %ne3A_1294 : i1
      %sub3A_1296 = arith.constant 1 : i32
      %sub3A_1297 = arith.subi %div3A_1276, %sub3A_1296 : i32
      %select_n3A_1298 = arith.select %and3A_1295, %sub3A_1297, %div3A_1276 : i32
      %jit3A_1299 = arith.constant 2 : i32
      %eq3A_1300 = arith.constant 0 : i32
      %eq3A_1301 = arith.cmpi eq, %jit3A_1299, %eq3A_1300 : i32
      %jit3A_1302 = arith.constant 1 : i32
      %select_n3A_1303 = arith.select %eq3A_1301, %jit3A_1302, %jit3A_1299 : i32
      %rem3A_1304 = arith.remsi %add3A_1274, %select_n3A_1303 : i32
      %ne3A_1305 = arith.constant 0 : i32
      %ne3A_1306 = arith.cmpi ne, %rem3A_1304, %ne3A_1305 : i32
      %lt3A_1307 = arith.constant 0 : i32
      %lt3A_1308 = arith.cmpi slt, %rem3A_1304, %lt3A_1307 : i32
      %lt3A_1309 = arith.constant 0 : i32
      %lt3A_1310 = arith.cmpi slt, %select_n3A_1303, %lt3A_1309 : i32
      %ne3A_1311 = arith.xori %lt3A_1308, %lt3A_1310 : i1
      %and3A_1312 = arith.andi %ne3A_1311, %ne3A_1306 : i1
      %add3A_1313 = arith.addi %rem3A_1304, %select_n3A_1303 : i32
      %select_n3A_1314 = arith.select %and3A_1312, %add3A_1313, %rem3A_1304 : i32
      %mul3A_1315 = arith.constant 256 : i32
      %mul3A_1316 = arith.muli %add3A_1274, %mul3A_1315 : i32
      %add3A_1317 = arith.constant 1024 : i32
      %add3A_1318 = arith.addi %add3A_1317, %mul3A_1316 : i32
      %mul3A_1319 = arith.constant 16384 : i32
      %mul3A_1320 = arith.muli %select_n3A_1298, %mul3A_1319 : i32
      %add3A_1321 = arith.addi %mul3A_1320, %mul3A_2 : i32
      %mul3A_1322 = arith.constant 256 : i32
      %mul3A_1323 = arith.muli %select_n3A_1314, %mul3A_1322 : i32
      %add3A_1324 = arith.addi %add3A_1321, %mul3A_1323 : i32
      %dma_start3A_1325 = tpu.memref_slice %arg11[%add3A_1318] : memref<14336xi32, #tpu.memory_space<vmem>> -> memref<256xi32, #tpu.memory_space<vmem>>
      %dma_start3A_1326 = arith.constant 0 : i32
      %dma_start3A_1327 = arith.constant 0 : i32
      %dma_start3A_1328 = tpu.memref_slice %arg7[%dma_start3A_1326, %dma_start3A_1327] : memref<100000x128xf32, #tpu.memory_space<hbm>> -> memref<100000x128xf32, #tpu.memory_space<hbm>>
      tpu.enqueue_indirect_dma source(%dma_start3A_1328 : memref<100000x128xf32, #tpu.memory_space<hbm>>) target(%arg13 : memref<256x128xf32, #tpu.memory_space<vmem>>) offsets(%dma_start3A_1325 : memref<256xi32, #tpu.memory_space<vmem>>) semaphore(%arg16 : memref<!tpu.dma_semaphore, #tpu.memory_space<semaphore_mem>>)
    }
    %scan3A_601 = arith.constant 16 : i32
    %add3A_602 = arith.constant 409600 : i32
    %add3A_603 = arith.addi %add3A_602, %mul3A_2 : i32
    %add3A_604 = arith.constant 0 : i32
    %add3A_605 = arith.addi %add3A_603, %add3A_604 : i32
    %dma_wait3A_606 = arith.constant 13824 : i32
    %dma_wait3A_607 = tpu.memref_slice %arg11[%dma_wait3A_606] : memref<14336xi32, #tpu.memory_space<vmem>> -> memref<256xi32, #tpu.memory_space<vmem>>
    %dma_wait3A_608 = arith.constant 0 : i32
    %dma_wait3A_609 = arith.constant 0 : i32
    %dma_wait3A_610 = tpu.memref_slice %arg7[%dma_wait3A_608, %dma_wait3A_609] : memref<100000x128xf32, #tpu.memory_space<hbm>> -> memref<100000x128xf32, #tpu.memory_space<hbm>>
    tpu.wait_indirect_dma semaphore(%arg15 : memref<!tpu.dma_semaphore, #tpu.memory_space<semaphore_mem>>) src(%dma_wait3A_610 : memref<100000x128xf32, #tpu.memory_space<hbm>>) dst(%arg12 : memref<256x128xf32, #tpu.memory_space<vmem>>)
    %add3A_611 = arith.constant 409600 : i32
    %add3A_612 = arith.addi %add3A_611, %mul3A_2 : i32
    %add3A_613 = arith.constant 0 : i32
    %add3A_614 = arith.addi %add3A_612, %add3A_613 : i32
    %dma_start3A_615 = arith.constant 0 : i32
    %dma_start3A_616 = tpu.memref_slice %arg10[%add3A_614, %dma_start3A_615] : memref<425984x128xf32, #tpu.memory_space<hbm>> -> memref<256x128xf32, #tpu.memory_space<hbm>>
    %dma_start3A_617 = arith.constant 0 : i32
    %dma_start3A_618 = tpu.memref_slice %arg10[%add3A_614, %dma_start3A_617] : memref<425984x128xf32, #tpu.memory_space<hbm>> -> memref<256x128xf32, #tpu.memory_space<hbm>>
    tpu.enqueue_dma source(%arg12 : memref<256x128xf32, #tpu.memory_space<vmem>>) target(%dma_start3A_618 : memref<256x128xf32, #tpu.memory_space<hbm>>) target_semaphore(%arg18 : memref<!tpu.dma_semaphore, #tpu.memory_space<semaphore_mem>>)
    %add3A_619 = arith.constant 393216 : i32
    %add3A_620 = arith.addi %add3A_619, %mul3A_2 : i32
    %add3A_621 = arith.constant 256 : i32
    %add3A_622 = arith.addi %add3A_620, %add3A_621 : i32
    %dma_wait3A_623 = arith.constant 0 : i32
    %dma_wait3A_624 = tpu.memref_slice %arg10[%add3A_622, %dma_wait3A_623] : memref<425984x128xf32, #tpu.memory_space<hbm>> -> memref<256x128xf32, #tpu.memory_space<hbm>>
    %dma_wait3A_625 = arith.constant 0 : i32
    %dma_wait3A_626 = tpu.memref_slice %arg10[%add3A_622, %dma_wait3A_625] : memref<425984x128xf32, #tpu.memory_space<hbm>> -> memref<256x128xf32, #tpu.memory_space<hbm>>
    tpu.wait_dma2 semaphore(%arg20 : memref<!tpu.dma_semaphore, #tpu.memory_space<semaphore_mem>>) src(%arg14 : memref<256x128xf32, #tpu.memory_space<vmem>>) dst(%dma_wait3A_626 : memref<256x128xf32, #tpu.memory_space<hbm>>)
    %add3A_627 = arith.constant 409600 : i32
    %add3A_628 = arith.addi %add3A_627, %mul3A_2 : i32
    %add3A_629 = arith.constant 256 : i32
    %add3A_630 = arith.addi %add3A_628, %add3A_629 : i32
    %dma_wait3A_631 = arith.constant 14080 : i32
    %dma_wait3A_632 = tpu.memref_slice %arg11[%dma_wait3A_631] : memref<14336xi32, #tpu.memory_space<vmem>> -> memref<256xi32, #tpu.memory_space<vmem>>
    %dma_wait3A_633 = arith.constant 0 : i32
    %dma_wait3A_634 = arith.constant 0 : i32
    %dma_wait3A_635 = tpu.memref_slice %arg7[%dma_wait3A_633, %dma_wait3A_634] : memref<100000x128xf32, #tpu.memory_space<hbm>> -> memref<100000x128xf32, #tpu.memory_space<hbm>>
    tpu.wait_indirect_dma semaphore(%arg16 : memref<!tpu.dma_semaphore, #tpu.memory_space<semaphore_mem>>) src(%dma_wait3A_635 : memref<100000x128xf32, #tpu.memory_space<hbm>>) dst(%arg13 : memref<256x128xf32, #tpu.memory_space<vmem>>)
    %add3A_636 = arith.constant 409600 : i32
    %add3A_637 = arith.addi %add3A_636, %mul3A_2 : i32
    %add3A_638 = arith.constant 256 : i32
    %add3A_639 = arith.addi %add3A_637, %add3A_638 : i32
    %dma_start3A_640 = arith.constant 0 : i32
    %dma_start3A_641 = tpu.memref_slice %arg10[%add3A_639, %dma_start3A_640] : memref<425984x128xf32, #tpu.memory_space<hbm>> -> memref<256x128xf32, #tpu.memory_space<hbm>>
    %dma_start3A_642 = arith.constant 0 : i32
    %dma_start3A_643 = tpu.memref_slice %arg10[%add3A_639, %dma_start3A_642] : memref<425984x128xf32, #tpu.memory_space<hbm>> -> memref<256x128xf32, #tpu.memory_space<hbm>>
    tpu.enqueue_dma source(%arg13 : memref<256x128xf32, #tpu.memory_space<vmem>>) target(%dma_start3A_643 : memref<256x128xf32, #tpu.memory_space<hbm>>) target_semaphore(%arg19 : memref<!tpu.dma_semaphore, #tpu.memory_space<semaphore_mem>>)
    %add3A_644 = arith.constant 409600 : i32
    %add3A_645 = arith.addi %add3A_644, %mul3A_2 : i32
    %add3A_646 = arith.constant 0 : i32
    %add3A_647 = arith.addi %add3A_645, %add3A_646 : i32
    %dma_wait3A_648 = arith.constant 0 : i32
    %dma_wait3A_649 = tpu.memref_slice %arg10[%add3A_647, %dma_wait3A_648] : memref<425984x128xf32, #tpu.memory_space<hbm>> -> memref<256x128xf32, #tpu.memory_space<hbm>>
    %dma_wait3A_650 = arith.constant 0 : i32
    %dma_wait3A_651 = tpu.memref_slice %arg10[%add3A_647, %dma_wait3A_650] : memref<425984x128xf32, #tpu.memory_space<hbm>> -> memref<256x128xf32, #tpu.memory_space<hbm>>
    tpu.wait_dma2 semaphore(%arg18 : memref<!tpu.dma_semaphore, #tpu.memory_space<semaphore_mem>>) src(%arg12 : memref<256x128xf32, #tpu.memory_space<vmem>>) dst(%dma_wait3A_651 : memref<256x128xf32, #tpu.memory_space<hbm>>)
    %add3A_652 = arith.constant 409600 : i32
    %add3A_653 = arith.addi %add3A_652, %mul3A_2 : i32
    %add3A_654 = arith.constant 256 : i32
    %add3A_655 = arith.addi %add3A_653, %add3A_654 : i32
    %dma_wait3A_656 = arith.constant 0 : i32
    %dma_wait3A_657 = tpu.memref_slice %arg10[%add3A_655, %dma_wait3A_656] : memref<425984x128xf32, #tpu.memory_space<hbm>> -> memref<256x128xf32, #tpu.memory_space<hbm>>
    %dma_wait3A_658 = arith.constant 0 : i32
    %dma_wait3A_659 = tpu.memref_slice %arg10[%add3A_655, %dma_wait3A_658] : memref<425984x128xf32, #tpu.memory_space<hbm>> -> memref<256x128xf32, #tpu.memory_space<hbm>>
    tpu.wait_dma2 semaphore(%arg19 : memref<!tpu.dma_semaphore, #tpu.memory_space<semaphore_mem>>) src(%arg13 : memref<256x128xf32, #tpu.memory_space<vmem>>) dst(%dma_wait3A_659 : memref<256x128xf32, #tpu.memory_space<hbm>>)
    return
  }
}

</mosaic_0001>

<sc_bundles>
// kernel: kernel.3.cloned.1.call-start
scs
__scs_entry_jumppad:
0x0: {  	(pc) =	sbr.rel $0x88, $3  }
0x1: {  	(tag) =	ssettag $0x0;
	lr =	simm.s32 $0x1  }
0x2: {  	[smem:$0x3F9B] =	sst lr;
	_ =	strace $0xD0000000  }
0x3: {  	_ = 	snop  }
0x4: {  	_ = 	snop  }
0x5: {  	_ = 	snop  }
0x6: {  	_ = 	snop  }
0x7: {  	_ = 	snop  }
__scs_overlays_trampoline_lowered:
0x8: {  	[smem:$0x3FAA] =	sst s0  }
0x9: {  	[smem:$0x3FAB] =	sst s1  }
0xa: {  	[smem:$0x3FAC] =	sst s2  }
0xb: {  	[smem:$0x3FAD] =	sst s3  }
0xc: {  	[smem:$0x3FAE] =	sst s4  }
0xd: {  	[smem:$0x3FAF] =	sst s5  }
0xe: {  	[smem:$0x3FB0] =	sst s6  }
0xf: {  	[smem:$0x3FB1] =	sst s7  }
0x10: {  	[smem:$0x3FB2] =	sst s8  }
0x11: {  	[smem:$0x3FB3] =	sst s9;
	s0 =	simm.s32 @!p0 $0x0  }
0x12: {  	s1 =	sld [smem:$0x3F99];
	s0 =	simm.s32 @p0 $0x1  }
0x13: {  	[smem:$0x3FB4] =	sst s0;
	s0 =	simm.s32 @!p1 $0x0  }
0x14: {  	s2 =	sld [smem:$0x3F98];
	s0 =	simm.s32 @p1 $0x1  }
0x15: {  	[smem:$0x3FB5] =	sst s0;
	s0 =	simm.s32 @!p2 $0x0  }
0x16: {  	s3 =	sld [smem:$0x3FDB];
	s0 =	simm.s32 @p2 $0x1  }
0x17: {  	s4 =	simm.s32 $0x1BF5;
	[smem:$0x3FB7] =	sst s0  }
0x18: {  	s0 =	sld [smem:$0x3F9A];
	_ =	swait.ge [sflag:s4], $0x0  }
0x19: {  	s7 =	sld [smem:$0x3F9B]  }
0x1a: {  	s8 =	sadd.s32 $0xFFFFE003, lr  }
0x1b: {  	s9 =	sadd.s32 $0xFFFFFEF7, lr;
	s5 =	simm.s32 $0xFFFFFFFF;
	p2 =	slt.u32 s8, $0xFFFFF086  }
0x1c: {  	p1 =	slt.u32 s9, $0xF7A;
	s5 =	simm.s32 @!p2 $0x0  }
0x1d: {  	s5 =	simm.s32 @p1 $0x1;
	p0 =	seq.s32 s7, s2  }
0x1e: {  	s7 =	smul.u32 @!p0 $0xF7A, s2;
	p2 =	seq.s32 @!p0 s5, $0x0  }
0x1f: {  	s9 =	smul.u32 $0xF7A, s1;
	s8 =	simm.s32 @!p0 $0x1BF5;
	p2 =	por !p2, p0  }
0x20: {  	[sflag:s8] =	ssyncset.s32 @!p0 $0xFFFFF086;
	s6 =	sadd.s32 @!p0 s3, s7;
	s7 =	simm.s32 @!p0 $0x108  }
0x21: {  	s3 =	sadd.s32 s3, s9;
	s6 =	sadd.s32 @!p0 $0x88, s6;
	s7 =	simm.s32 @p2 $0x1082  }
0x22: {  	[simem:s7], [sflag:s8] =	dma.local @!p0 [hbm:s6], $0xF7A  }
0x23: {  	s9 =	sor.u32 $0xD0000000, s2;
	s6 =	simm.s32 $0x108;
	_ =	swait.ge @!p0 [sflag:s8], $0x0  }
0x24: {  	s3 =	sadd.s32 $0x88, s3;
	s6 =	simm.s32 @!p1 $0x1082;
	[sflag:s4] =	ssyncset.s32 $0xFFFFF086  }
0x25: {  	[simem:s6], [sflag:s4] =	dma.local [hbm:s3], $0xF7A  }
0x26: {  	[smem:$0x3F9B] =	sst s1;
	(tag) =	ssettag s2;
	_ =	strace s9  }
0x27: {  	s1 =	sld [smem:$0x3FAB]  }
0x28: {  	s2 =	sld [smem:$0x3FAC]  }
0x29: {  	s4 =	sld [smem:$0x3FAE]  }
0x2a: {  	p0 =	seq.s32 s5, $0x0;
	s5 =	sld [smem:$0x3FAF]  }
0x2b: {  	s6 =	sld [smem:$0x3FB0]  }
0x2c: {  	s7 =	sld [smem:$0x3FB1]  }
0x2d: {  	s3 =	simm.s32 $0x108;
	s8 =	sld [smem:$0x3FB2]  }
0x2e: {  	s3 =	simm.s32 @!p0 $0x1082;
	s9 =	sld [smem:$0x3FB3]  }
0x2f: {  	lr =	sadd.s32 s0, s3;
	s0 =	sld [smem:$0x3FAA]  }
0x30: {  	s3 =	sld [smem:$0x3FAD]  }
0x31: {  	[smem:$0x3FB6] =	sst s10  }
0x32: {  	s10 =	sld [smem:$0x3FB4];
	_ =	sdelay $0x3  }
0x33: {  	p0 =	seq.s32 s10, $0x1;
	s10 =	sld [smem:$0x3FB6];
	_ =	sdelay $0x3  }
0x34: {  	[smem:$0x3FB6] =	sst s10  }
0x35: {  	s10 =	sld [smem:$0x3FB5];
	_ =	sdelay $0x3  }
0x36: {  	p1 =	seq.s32 s10, $0x1;
	s10 =	sld [smem:$0x3FB6];
	_ =	sdelay $0x3  }
0x37: {  	[smem:$0x3FB6] =	sst s10  }
0x38: {  	s10 =	sld [smem:$0x3FB7]  }
0x39: {  	_ = 	snop;
	(pc) =	sbr.ind lr, $3  }
0x3a: {  	_ = 	snop  }
0x3b: {  	_ = 	snop  }
0x3c: {  	p2 =	seq.s32 s10, $0x1;
	s10 =	sld [smem:$0x3FB6]  }
0x3d: {  	_ =	shalt  }
0x3e: {  	_ =	shalt  }
0x3f: {  	_ =	shalt  }
0x40: {  	_ =	shalt  }
0x41: {  	_ =	shalt  }
0x42: {  	_ =	shalt  }
0x43: {  	_ =	shalt  }
0x44: {  	_ =	shalt  }
0x45: {  	_ =	shalt  }
0x46: {  	_ =	shalt  }
0x47: {  	_ =	shalt  }
0x48: {  	_ =	shalt  }
0x49: {  	_ =	shalt  }
0x4a: {  	_ =	shalt  }
0x4b: {  	_ =	shalt  }
0x4c: {  	_ =	shalt  }
0x4d: {  	_ =	shalt  }
0x4e: {  	_ =	shalt  }
0x4f: {  	_ =	shalt  }
0x50: {  	_ =	shalt  }
0x51: {  	_ =	shalt  }
0x52: {  	_ =	shalt  }
0x53: {  	_ =	shalt  }
0x54: {  	_ =	shalt  }
0x55: {  	_ =	shalt  }
0x56: {  	_ =	shalt  }
0x57: {  	_ =	shalt  }
0x58: {  	_ =	shalt  }
0x59: {  	_ =	shalt  }
0x5a: {  	_ =	shalt  }
0x5b: {  	_ =	shalt  }
0x5c: {  	_ =	shalt  }
0x5d: {  	_ =	shalt  }
0x5e: {  	_ =	shalt  }
0x5f: {  	_ =	shalt  }
0x60: {  	_ =	shalt  }
0x61: {  	_ =	shalt  }
0x62: {  	_ =	shalt  }
0x63: {  	_ =	shalt  }
0x64: {  	_ =	shalt  }
0x65: {  	_ =	shalt  }
0x66: {  	_ =	shalt  }
0x67: {  	_ =	shalt  }
0x68: {  	_ =	shalt  }
0x69: {  	_ =	shalt  }
0x6a: {  	_ =	shalt  }
0x6b: {  	_ =	shalt  }
0x6c: {  	_ =	shalt  }
0x6d: {  	_ =	shalt  }
0x6e: {  	_ =	shalt  }
0x6f: {  	_ =	shalt  }
0x70: {  	_ =	shalt  }
0x71: {  	_ =	shalt  }
0x72: {  	_ =	shalt  }
0x73: {  	_ =	shalt  }
0x74: {  	_ =	shalt  }
0x75: {  	_ =	shalt  }
0x76: {  	_ =	shalt  }
0x77: {  	_ =	shalt  }
0x78: {  	_ =	shalt  }
0x79: {  	_ =	shalt  }
0x7a: {  	_ =	shalt  }
0x7b: {  	_ =	shalt  }
0x7c: {  	_ =	shalt  }
0x7d: {  	_ =	shalt  }
0x7e: {  	_ =	shalt  }
0x7f: {  	_ =	shalt  }
0x80: {  	_ =	shalt  }
0x81: {  	_ =	shalt  }
0x82: {  	_ =	shalt  }
0x83: {  	_ =	shalt  }
0x84: {  	_ =	shalt  }
0x85: {  	_ =	shalt  }
0x86: {  	_ =	shalt  }
0x87: {  	_ =	shalt  }
.Lfunc_end0:
.L_simem_size_0:
called_computation_lowered:
.L_overlay_start_0:
0x88: {  	s2 =	sld [smem:$0x3FD9]  }
0x89: {  	s3 =	sld [smem:$0x3FFE];
	_ =	sdelay $0x1  }
0x8a: {  	s1 =	srdreg.scid  }
0x8b: {  	s0 =	sand.u32 $0x1, s1  }
0x8c: {  	s15 =	sshll.u32 s0, $0xA;
	s2 =	sadd.s32 s3, s2  }
0x8d: {  	s2 =	sadd.s32 s2, s15  }
0x8e: {  	[smem:$0x3FC2] =	sst s2  }
0x8f: {  	_ = 	snop  }
0x90: {  	s2 =	sld [smem:$0x3FC9]  }
0x91: {  	s16 =	sld [smem:$0x3FC8]  }
0x92: {  	s4 =	sld [smem:$0x3FC7]  }
0x93: {  	s5 =	sld [smem:$0x3FD0]  }
0x94: {  	s6 =	sld [smem:$0x3FC6]  }
0x95: {  	s7 =	sld [smem:$0x3FC5]  }
0x96: {  	s9 =	simm.s32 $0xA;
	s10 =	simm.s32 $0x10;
	s8 =	sld [smem:$0x3FC4]  }
0x97: {  	[smem:s10], [sflag:s9] =	dma.local [hbm:s5], $0x1  }
0x98: {  	_ =	swait.eq [sflag:s9], $0x1  }
0x99: {  	s17 =	sld [smem:$0x10];
	[sflag:s9] =	ssyncset.done $0x0  }
0x9a: {  	s18 =	sld [smem:$0x11];
	[sflag:s9] =	ssyncadd.s32 $0xFFFFFFFF  }
0x9b: {  	s19 =	sld [smem:$0x12];
	(tm) =	ssettm $0x1  }
0x9c: {  	s11 =	sld [smem:$0x3FFB];
	_ =	sdelay $0x3  }
0x9d: {  	_ =	strace s11  }
0x9e: {  	s11 =	sld [smem:$0x3FFC];
	_ =	sdelay $0x3  }
0x9f: {  	_ =	strace s11  }
0xa0: {  	s11 =	sld [smem:$0x3FFD];
	_ =	sdelay $0x3  }
0xa1: {  	_ =	strace s11  }
0xa2: {  	_ =	strace $0x8FFFFFFF  }
0xa3: {  	s20 =	sld [smem:$0x3FDB];
	_ =	sdelay $0x1  }
0xa4: {  	s12 =	simm.s32 $_scs_section_size  }
0xa5: {  	s13 =	simm.s32 $_size__tile_overlayer_lowered;
	s14 =	simm.s32 $_tile_overlayer_lowered  }
0xa6: {  	s23 =	simm.s32 $0x1BFF;
	s22 =	sshll.u32 s14, $0x1;
	s11 =	sadd.s32 s12, s20  }
0xa7: {  	s21 =	sshll.u32 s13, $0x1;
	s15 =	simm.s32 $0x0;
	s13 =	sadd.s32 s22, s11  }
0xa8: {  	[timem:s15], [sflag:s23] =	dma.local [hbm:s13], s21  }
0xa9: {  	_ =	swait.ge [sflag:s23], s21  }
0xaa: {  	s12 =	ssub.s32 $0x0, s21;
	[sflag:s23] =	ssyncset.done $0x0  }
0xab: {  	[sflag:s23] =	ssyncadd.s32 s12;
	_ =	sdelay $0x1  }
0xac: {  	s24 =	simm.s32 $0x1B8B  }
0xad: {  	_ =	swait.ge [sflag:s24], $0x1  }
0xae: {  	[sflag:s24] =	ssyncset.done $0x0  }
0xaf: {  	s25 =	simm.s32 $0x1B8E;
	[sflag:s24] =	ssyncadd.s32 $0xFFFFFFFF  }
0xb0: {  	s26 =	simm.s32 $execute0_lowered;
	[smem:$0x3FD2] =	sst s25  }
0xb1: {  	s12 =	sshll.u32 s26, $0x1;
	_ =	strace $0x80000046;
	[dreg:$0x1] =	wrdreg $0xFFFFFFFF  }
0xb2: {  	s28 =	simm.s32 $_size_execute0_lowered;
	s11 =	sadd.s32 s11, s12;
	[dreg:$0x0] =	wrdreg $0x0  }
0xb3: {  	s12 =	sshll.u32 s28, $0x1;
	[dreg:$0x2] =	wrdreg s11  }
0xb4: {  	[dreg:$0x3] =	wrdreg s12  }
0xb5: {  	[dreg:$0x4] =	wrdreg $0xC0  }
0xb6: {  	_ =	task [dreg:s15], $0x5FFFF  }
0xb7: {  	[dreg:$0x1] =	wrdreg $0xFFFFFFFF  }
0xb8: {  	[dreg:$0x0] =	wrdreg $0x60  }
0xb9: {  	[dreg:$0x2] =	wrdreg s2  }
0xba: {  	[dreg:$0x3] =	wrdreg s16  }
0xbb: {  	[dreg:$0x4] =	wrdreg s4  }
0xbc: {  	[dreg:$0x5] =	wrdreg s6  }
0xbd: {  	[dreg:$0x6] =	wrdreg s7  }
0xbe: {  	[dreg:$0x7] =	wrdreg s8  }
0xbf: {  	[dreg:$0x8] =	wrdreg s17  }
0xc0: {  	[dreg:$0x9] =	wrdreg s18  }
0xc1: {  	[dreg:$0xa] =	wrdreg s19  }
0xc2: {  	[dreg:$0xb] =	wrdreg $0x9  }
0xc3: {  	_ =	task.clear_ibuf [dreg:s15], $0xCFFFF;
	_ =	strace $0x90000046  }
0xc4: {  	s29 =	simm.s32 $0x9;
	_ =	strace $0x80000048  }
0xc5: {  	_ =	swait.ge [sflag:s29], $0x1  }
0xc6: {  	[sflag:s29] =	ssyncadd.s32 $0xFFFFFFFF  }
0xc7: {  	_ =	strace $0x90000048  }
0xc8: {  	_ =	sfence  }
0xc9: {  	s30 =	sld [smem:$0x0];
	_ =	sdelay $0x2  }
0xca: {  	s31 =	sshll.u32 s1, $0xD;
	s1 =	sshrl.u32 s1, $0x2  }
0xcb: {  	s3 =	sand.u32 $0x4000, s31;
	s1 =	sadd.s32 s1, s30  }
0xcc: {  	s0 =	sor.u32 s3, s0;
	s1 =	sshll.u32 s1, $0x11  }
0xcd: {  	s0 =	sor.u32 s1, s0  }
0xce: {  	s0 =	sadd.s32 $0x8F2B, s0  }
0xcf: {  	[sflag:s0] =	ssyncadd.remote.s32 $0x1  }
0xd0: {  	_ =	sfence.sel $0xFFFF  }
0xd1: {  	[dreg:$0x0] =	wrdreg $0xFFFFFFFF;
	(pc) =	sbr.abs _section_cstart, $3  }
0xd2: {  	[dreg:$0x1] =	wrdreg $0xFFFFFFFF  }
0xd3: {  	_ =	task.clear_ibuf [dreg:s15], $0x2FFFF;
	_ =	strace $0x9FFFFFFF  }
0xd4: {  	(tm) =	ssettm $0x7FFFFFFF  }
0xd5: {  	_ =	shalt  }
tec
execute0_lowered:
.L_overlay_start_1:
0x0: {  	(tag) =	ssettag $0x1  }
0x1: {  	s0 =	rddreg [dreg:$0x0]  }
0x2: {  	s1 =	rddreg [dreg:$0x1]  }
0x3: {  	s2 =	rddreg [dreg:$0x2]  }
0x4: {  	s3 =	rddreg [dreg:$0x5];
	s6 =	srdreg.scid  }
0x5: {  	s4 =	rddreg [dreg:$0x6];
	s9 =	stileid.u32;
	s7 =	sand.u32 $0x1, s6  }
0x6: {  	s8 =	rddreg [dreg:$0x7];
	s9 =	sshll.u32 s9, $0xA;
	s10 =	sshll.u32 s7, $0x9  }
0x7: {  	s6 =	simm.s32 $0x0;
	s11 =	ssub.s32 $0x2, s7;
	s7 =	sor.u32 s10, s9  }
0x8: {  	[smem:$0x7FF] =	sst s6;
	s10 =	sshrl.u32 s7, $0x3  }
0x9: {  	s5 =	rddreg [dreg:$0x8];
	_ =	strace $0x80000047;
	s0 =	sadd.s32 s0, s10  }
0xa: {  	s9 =	sadd.s32 s2, s7;
	s10 =	sadd.s32 s1, s10;
	[dreg:$0xa] =	wrdreg s0  }
0xb: {  	s12 =	sadd.s32 $0x10, s9;
	[dreg:$0xb] =	wrdreg s10  }
0xc: {  	s13 =	sadd.s32 $0x20, s9;
	[dreg:$0xc] =	wrdreg s12  }
0xd: {  	s14 =	sadd.s32 $0x30, s9;
	[dreg:$0xd] =	wrdreg s13  }
0xe: {  	s15 =	sadd.s32 $0x40, s9;
	[dreg:$0xe] =	wrdreg s14  }
0xf: {  	s16 =	sadd.s32 $0x50, s9;
	[dreg:$0xf] =	wrdreg s15  }
0x10: {  	s17 =	sadd.s32 $0x60, s9;
	[dreg:$0x10] =	wrdreg s16  }
0x11: {  	s18 =	sadd.s32 $0x70, s9;
	[dreg:$0x11] =	wrdreg s17  }
0x12: {  	s19 =	sshll.u32 s7, $0x4;
	s20 =	sadd.s32 $0x4000, s9;
	[dreg:$0x12] =	wrdreg s18  }
0x13: {  	s26 =	sshrl.u32 s11, $0x1;
	s21 =	sadd.s32 s4, s19;
	[dreg:$0x13] =	wrdreg s20  }
0x14: {  	s11 =	ssub.s32 s11, s26;
	s24 =	sadd.s32 s8, s19;
	[dreg:$0x14] =	wrdreg s21  }
0x15: {  	s1 =	smax.u32 s11, $0x1;
	[dreg:$0x16] =	wrdreg s24  }
0x16: {  	s2 =	sadd.s32 $0x4010, s9;
	[dreg:$0x19] =	wrdreg s1  }
0x17: {  	s22 =	sor.u32 $0x1000, s19;
	s11 =	sadd.s32 $0x4050, s9;
	[dreg:$0x1a] =	wrdreg s2  }
0x18: {  	s23 =	sadd.s32 s4, s22;
	[dreg:$0x1e] =	wrdreg s11  }
0x19: {  	s25 =	sadd.s32 s8, s22;
	[dreg:$0x15] =	wrdreg s23  }
0x1a: {  	s26 =	sadd.s32 s5, s22;
	[dreg:$0x17] =	wrdreg s25  }
0x1b: {  	s4 =	sadd.s32 $0x4020, s9;
	[dreg:$0x18] =	wrdreg s26  }
0x1c: {  	s8 =	sadd.s32 $0x4030, s9;
	[dreg:$0x1b] =	wrdreg s4  }
0x1d: {  	s10 =	sadd.s32 $0x4040, s9;
	[dreg:$0x1c] =	wrdreg s8  }
0x1e: {  	s12 =	sadd.s32 $0x4060, s9;
	[dreg:$0x1d] =	wrdreg s10  }
0x1f: {  	s13 =	sadd.s32 $0x4070, s9;
	[dreg:$0x1f] =	wrdreg s12  }
0x20: {  	s14 =	sadd.s32 $0x8000, s9;
	[smem:$0x7F1] =	sst s13  }
0x21: {  	s15 =	sadd.s32 $0x8010, s9;
	[smem:$0x7F2] =	sst s14  }
0x22: {  	s28 =	simm.s32 $0xB800;
	s16 =	sadd.s32 $0x8020, s9;
	[smem:$0x7F3] =	sst s15  }
0x23: {  	s29 =	simm.s32 $0x1;
	s17 =	sadd.s32 $0x8030, s9;
	[smem:$0x7F4] =	sst s16  }
0x24: {  	s30 =	simm.s32 $0x13800;
	s18 =	sadd.s32 $0x8040, s9;
	[smem:$0x7F5] =	sst s17  }
0x25: {  	s31 =	simm.s32 $0x2;
	s20 =	sadd.s32 $0x8060, s9;
	[smem:$0x7F6] =	sst s18  }
0x26: {  	s21 =	sadd.s32 $0x8070, s9;
	s22 =	sadd.s32 $0xC000, s9;
	[smem:$0x7F8] =	sst s20  }
0x27: {  	s24 =	sadd.s32 $0xC010, s9;
	s1 =	simm.s32 $0x4;
	[smem:$0x7F9] =	sst s21  }
0x28: {  	s0 =	simm.s32 $0x5;
	s2 =	simm.s32 $0x6;
	[smem:$0x7FA] =	sst s22  }
0x29: {  	s23 =	sadd.s32 s5, s19;
	s19 =	sadd.s32 $0x8050, s9;
	[smem:$0x7FB] =	sst s24  }
0x2a: {  	s20 =	simm.s32 $0x80;
	s21 =	simm.s32 $0x400;
	s24 =	simm.s32 $0x7  }
0x2b: {  	s4 =	simm.s32 $0x3;
	[smem:$0x7F7] =	sst s19;
	s25 =	sadd.s32 $0x640000, s23  }
0x2c: {  	s8 =	simm.s32 $0x0;
	s26 =	sadd.s32 $0x641000, s23;
	[smem:$0x7FC] =	sst s25  }
0x2d: {  	[smem:$0x7FD] =	sst s26;
	s25 =	simm.s32 $0x100;
	s26 =	simm.s32 $0x3800  }
.LBB2_1:
0x2e: {  	s10 =	rddreg [dreg:$0xa]  }
0x2f: {  	[tilespmem:s6], [sflag:$0x7] =	stream.linear.gather [hbm4b:s10+s6], $0x200, $0x38;
	[tilespmem:$0x1B800] =	vst v63  }
0x30: {  	s22 =	rddreg [dreg:$0xb];
	s13 =	simm.s32 $0x200  }
0x31: {  	[tilespmem:s13], [sflag:$0x7] =	stream.linear.gather [hbm4b:s22+s6], $0x200, $0x38;
	[tilespmem:$0x1B800] =	vst v63  }
0x32: {  	s11 =	rddreg [dreg:$0xc]  }
0x33: {  	[tilespmem:s21], [sflag:$0x7] =	stream.strided.gather [hbm4b:s9+s20], $0x200, s21, s20, $0x38;
	[tilespmem:$0x1B800] =	vst v63  }
0x34: {  	s14 =	simm.s32 $0x600;
	s12 =	rddreg [dreg:$0xd]  }
0x35: {  	[tilespmem:s14], [sflag:$0x7] =	stream.strided.gather [hbm4b:s11+s20], $0x200, s21, s20, $0x38;
	[tilespmem:$0x1B800] =	vst v63  }
0x36: {  	s15 =	rddreg [dreg:$0xe];
	s11 =	simm.s32 $0x800  }
0x37: {  	[tilespmem:s11], [sflag:$0x7] =	stream.strided.gather [hbm4b:s12+s20], $0x200, s21, s20, $0x38;
	[tilespmem:$0x1B800] =	vst v63  }
0x38: {  	s16 =	rddreg [dreg:$0xf];
	s10 =	simm.s32 $0xA00  }
0x39: {  	[tilespmem:s10], [sflag:$0x7] =	stream.strided.gather [hbm4b:s15+s20], $0x200, s21, s20, $0x38;
	[tilespmem:$0x1B800] =	vst v63  }
0x3a: {  	s17 =	rddreg [dreg:$0x10];
	s12 =	simm.s32 $0xC00  }
0x3b: {  	[tilespmem:s12], [sflag:$0x7] =	stream.strided.gather [hbm4b:s16+s20], $0x200, s21, s20, $0x38;
	[tilespmem:$0x1B800] =	vst v63  }
0x3c: {  	s18 =	simm.s32 $0xE00;
	s19 =	rddreg [dreg:$0x11]  }
0x3d: {  	[tilespmem:s18], [sflag:$0x7] =	stream.strided.gather [hbm4b:s17+s20], $0x200, s21, s20, $0x38;
	[tilespmem:$0x1B800] =	vst v63  }
0x3e: {  	s22 =	simm.s32 $0x1000;
	s15 =	rddreg [dreg:$0x12]  }
0x3f: {  	[tilespmem:s22], [sflag:$0x7] =	stream.strided.gather [hbm4b:s19+s20], $0x200, s21, s20, $0x38;
	[tilespmem:$0x1B800] =	vst v63  }
0x40: {  	s16 =	simm.s32 $0x1200;
	s17 =	rddreg [dreg:$0x13]  }
0x41: {  	[tilespmem:s16], [sflag:$0x7] =	stream.strided.gather [hbm4b:s15+s20], $0x200, s21, s20, $0x38;
	[tilespmem:$0x1B800] =	vst v63  }
0x42: {  	s18 =	simm.s32 $0x1400;
	s19 =	rddreg [dreg:$0x1a]  }
0x43: {  	[tilespmem:s18], [sflag:$0x7] =	stream.strided.gather [hbm4b:s17+s20], $0x200, s21, s20, $0x38;
	[tilespmem:$0x1B800] =	vst v63  }
0x44: {  	s22 =	simm.s32 $0x1600;
	s15 =	rddreg [dreg:$0x1b]  }
0x45: {  	[tilespmem:s22], [sflag:$0x7] =	stream.strided.gather [hbm4b:s19+s20], $0x200, s21, s20, $0x38;
	[tilespmem:$0x1B800] =	vst v63  }
0x46: {  	s16 =	simm.s32 $0x1800;
	s17 =	rddreg [dreg:$0x1c]  }
0x47: {  	[tilespmem:s16], [sflag:$0x7] =	stream.strided.gather [hbm4b:s15+s20], $0x200, s21, s20, $0x38;
	[tilespmem:$0x1B800] =	vst v63  }
0x48: {  	s18 =	simm.s32 $0x1A00;
	s19 =	rddreg [dreg:$0x1d]  }
0x49: {  	[tilespmem:s18], [sflag:$0x7] =	stream.strided.gather [hbm4b:s17+s20], $0x200, s21, s20, $0x38;
	[tilespmem:$0x1B800] =	vst v63  }
0x4a: {  	s22 =	simm.s32 $0x1C00;
	s15 =	rddreg [dreg:$0x1e]  }
0x4b: {  	[tilespmem:s22], [sflag:$0x7] =	stream.strided.gather [hbm4b:s19+s20], $0x200, s21, s20, $0x38;
	[tilespmem:$0x1B800] =	vst v63  }
0x4c: {  	s16 =	simm.s32 $0x1E00;
	s17 =	rddreg [dreg:$0x1f]  }
0x4d: {  	[tilespmem:s16], [sflag:$0x7] =	stream.strided.gather [hbm4b:s15+s20], $0x200, s21, s20, $0x38;
	[tilespmem:$0x1B800] =	vst v63  }
0x4e: {  	s18 =	simm.s32 $0x2000;
	s19 =	sld [smem:$0x7F1]  }
0x4f: {  	[tilespmem:s18], [sflag:$0x7] =	stream.strided.gather [hbm4b:s17+s20], $0x200, s21, s20, $0x38;
	[tilespmem:$0x1B800] =	vst v63  }
0x50: {  	s22 =	simm.s32 $0x2200;
	s15 =	sld [smem:$0x7F2]  }
0x51: {  	[tilespmem:s22], [sflag:$0x7] =	stream.strided.gather [hbm4b:s19+s20], $0x200, s21, s20, $0x38;
	[tilespmem:$0x1B800] =	vst v63  }
0x52: {  	s16 =	simm.s32 $0x2400;
	s17 =	sld [smem:$0x7F3]  }
0x53: {  	[tilespmem:s16], [sflag:$0x7] =	stream.strided.gather [hbm4b:s15+s20], $0x200, s21, s20, $0x38;
	[tilespmem:$0x1B800] =	vst v63  }
0x54: {  	s18 =	simm.s32 $0x2600;
	s19 =	sld [smem:$0x7F4]  }
0x55: {  	[tilespmem:s18], [sflag:$0x7] =	stream.strided.gather [hbm4b:s17+s20], $0x200, s21, s20, $0x38;
	[tilespmem:$0x1B800] =	vst v63  }
0x56: {  	s22 =	simm.s32 $0x2800;
	s15 =	sld [smem:$0x7F5]  }
0x57: {  	[tilespmem:s22], [sflag:$0x7] =	stream.strided.gather [hbm4b:s19+s20], $0x200, s21, s20, $0x38;
	[tilespmem:$0x1B800] =	vst v63  }
0x58: {  	s16 =	simm.s32 $0x2A00;
	s17 =	sld [smem:$0x7F6]  }
0x59: {  	[tilespmem:s16], [sflag:$0x7] =	stream.strided.gather [hbm4b:s15+s20], $0x200, s21, s20, $0x38;
	[tilespmem:$0x1B800] =	vst v63  }
0x5a: {  	s18 =	simm.s32 $0x2C00;
	s19 =	sld [smem:$0x7F7]  }
0x5b: {  	[tilespmem:s18], [sflag:$0x7] =	stream.strided.gather [hbm4b:s17+s20], $0x200, s21, s20, $0x38;
	[tilespmem:$0x1B800] =	vst v63  }
0x5c: {  	s22 =	simm.s32 $0x2E00;
	s15 =	sld [smem:$0x7F8]  }
0x5d: {  	[tilespmem:s22], [sflag:$0x7] =	stream.strided.gather [hbm4b:s19+s20], $0x200, s21, s20, $0x38;
	[tilespmem:$0x1B800] =	vst v63  }
0x5e: {  	s16 =	simm.s32 $0x3000;
	s17 =	sld [smem:$0x7F9]  }
0x5f: {  	[tilespmem:s16], [sflag:$0x7] =	stream.strided.gather [hbm4b:s15+s20], $0x200, s21, s20, $0x38;
	[tilespmem:$0x1B800] =	vst v63  }
0x60: {  	s18 =	simm.s32 $0x3200;
	s19 =	sld [smem:$0x7FA]  }
0x61: {  	[tilespmem:s18], [sflag:$0x7] =	stream.strided.gather [hbm4b:s17+s20], $0x200, s21, s20, $0x38;
	[tilespmem:$0x1B800] =	vst v63  }
0x62: {  	s22 =	simm.s32 $0x3400;
	s15 =	sld [smem:$0x7FB]  }
0x63: {  	[tilespmem:s22], [sflag:$0x7] =	stream.strided.gather [hbm4b:s19+s20], $0x200, s21, s20, $0x38;
	[tilespmem:$0x1B800] =	vst v63  }
0x64: {  	s16 =	simm.s32 $0x3600  }
0x65: {  	[tilespmem:s16], [sflag:$0x7] =	stream.strided.gather [hbm4b:s15+s20], $0x200, s21, s20, $0x38;
	[tilespmem:$0x1B800] =	vst v63  }
0x66: {  	_ =	swait.ge [sflag:s24], $0x200  }
0x67: {  	[sflag:s24] =	ssyncset.done $0x0  }
0x68: {  	[sflag:s24] =	ssyncadd.s32 $0xFFFFFE00  }
0x69: {  	_ =	swait.ge [sflag:s24], $0x200  }
0x6a: {  	[sflag:s24] =	ssyncset.done $0x0  }
0x6b: {  	[sflag:s24] =	ssyncadd.s32 $0xFFFFFE00  }
0x6c: {  	s17 =	rddreg [dreg:$0x3]  }
0x6d: {  	[tilespmem:s26], [sflag:$0x1] =	stream.indirect.gather [hbm4b:s17+s25], $0x80, s6, s25, $0xb8;
	[tilespmem:$0x1B800] =	vst v63  }
0x6e: {  	_ = 	snop  }
0x6f: {  	[tilespmem:s28], [sflag:$0x2] =	stream.indirect.gather [hbm4b:s17+s25], $0x80, s25, s25, $0xb8;
	[tilespmem:$0x1B800] =	vst v63  }
0x70: {  	_ =	swait.ge [sflag:s29], $0x8000  }
0x71: {  	[sflag:s29] =	ssyncset.done $0x0  }
0x72: {  	s18 =	rddreg [dreg:$0x14];
	[sflag:s29] =	ssyncadd.s32 $0xFFFF8000  }
0x73: {  	[hbm4b:s18+s6] =	stream.linear.scatter [tilespmem:s26], [sflag:$0x4], $0x8000, $0x38;
	[tilespmem:$0x1B800] =	vst v63  }
0x74: {  	s19 =	rddreg [dreg:$0x4]  }
0x75: {  	[tilespmem:s30], [sflag:$0x3] =	stream.indirect.gather [hbm4b:s19+s25], $0x80, s13, s25, $0xb8;
	[tilespmem:$0x1B800] =	vst v63  }
0x76: {  	_ =	swait.ge [sflag:s31], $0x8000  }
0x77: {  	[sflag:s31] =	ssyncset.done $0x0  }
0x78: {  	s22 =	rddreg [dreg:$0x15];
	[sflag:s31] =	ssyncadd.s32 $0xFFFF8000  }
0x79: {  	[hbm4b:s22+s6] =	stream.linear.scatter [tilespmem:s28], [sflag:$0x5], $0x8000, $0x38;
	[tilespmem:$0x1B800] =	vst v63  }
0x7a: {  	_ =	swait.ge [sflag:s1], $0x8000  }
0x7b: {  	[sflag:s1] =	ssyncset.done $0x0  }
0x7c: {  	s11 =	simm.s32 $0x300;
	[sflag:s1] =	ssyncadd.s32 $0xFFFF8000  }
0x7d: {  	[tilespmem:s26], [sflag:$0x1] =	stream.indirect.gather [hbm4b:s19+s25], $0x80, s11, s25, $0xb8;
	[tilespmem:$0x1B800] =	vst v63  }
0x7e: {  	_ =	swait.ge [sflag:s24], $0x200  }
0x7f: {  	[sflag:s24] =	ssyncset.done $0x0  }
0x80: {  	[sflag:s24] =	ssyncadd.s32 $0xFFFFFE00  }
0x81: {  	_ =	swait.ge [sflag:s24], $0x200  }
0x82: {  	[sflag:s24] =	ssyncset.done $0x0  }
0x83: {  	[sflag:s24] =	ssyncadd.s32 $0xFFFFFE00  }
0x84: {  	_ =	swait.ge [sflag:s24], $0x200  }
0x85: {  	[sflag:s24] =	ssyncset.done $0x0  }
0x86: {  	[sflag:s24] =	ssyncadd.s32 $0xFFFFFE00  }
0x87: {  	_ =	swait.ge [sflag:s24], $0x200  }
0x88: {  	[sflag:s24] =	ssyncset.done $0x0  }
0x89: {  	[sflag:s24] =	ssyncadd.s32 $0xFFFFFE00  }
0x8a: {  	_ =	swait.ge [sflag:s24], $0x200  }
0x8b: {  	[sflag:s24] =	ssyncset.done $0x0  }
0x8c: {  	[sflag:s24] =	ssyncadd.s32 $0xFFFFFE00  }
0x8d: {  	_ =	swait.ge [sflag:s24], $0x200  }
0x8e: {  	[sflag:s24] =	ssyncset.done $0x0  }
0x8f: {  	[sflag:s24] =	ssyncadd.s32 $0xFFFFFE00  }
0x90: {  	_ =	swait.ge [sflag:s24], $0x200  }
0x91: {  	[sflag:s24] =	ssyncset.done $0x0  }
0x92: {  	[sflag:s24] =	ssyncadd.s32 $0xFFFFFE00  }
0x93: {  	_ =	swait.ge [sflag:s24], $0x200  }
0x94: {  	[sflag:s24] =	ssyncset.done $0x0  }
0x95: {  	[sflag:s24] =	ssyncadd.s32 $0xFFFFFE00  }
0x96: {  	_ =	swait.ge [sflag:s24], $0x200  }
0x97: {  	[sflag:s24] =	ssyncset.done $0x0  }
0x98: {  	[sflag:s24] =	ssyncadd.s32 $0xFFFFFE00  }
0x99: {  	_ =	swait.ge [sflag:s24], $0x200  }
0x9a: {  	[sflag:s24] =	ssyncset.done $0x0  }
0x9b: {  	[sflag:s24] =	ssyncadd.s32 $0xFFFFFE00  }
0x9c: {  	_ =	swait.ge [sflag:s24], $0x200  }
0x9d: {  	[sflag:s24] =	ssyncset.done $0x0  }
0x9e: {  	[sflag:s24] =	ssyncadd.s32 $0xFFFFFE00  }
0x9f: {  	_ =	swait.ge [sflag:s24], $0x200  }
0xa0: {  	[sflag:s24] =	ssyncset.done $0x0  }
0xa1: {  	[sflag:s24] =	ssyncadd.s32 $0xFFFFFE00  }
0xa2: {  	_ =	swait.ge [sflag:s24], $0x200  }
0xa3: {  	[sflag:s24] =	ssyncset.done $0x0  }
0xa4: {  	[sflag:s24] =	ssyncadd.s32 $0xFFFFFE00  }
0xa5: {  	_ =	swait.ge [sflag:s24], $0x200  }
0xa6: {  	[sflag:s24] =	ssyncset.done $0x0  }
0xa7: {  	[sflag:s24] =	ssyncadd.s32 $0xFFFFFE00  }
0xa8: {  	_ =	swait.ge [sflag:s24], $0x200  }
0xa9: {  	[sflag:s24] =	ssyncset.done $0x0  }
0xaa: {  	[sflag:s24] =	ssyncadd.s32 $0xFFFFFE00  }
0xab: {  	_ =	swait.ge [sflag:s24], $0x200  }
0xac: {  	[sflag:s24] =	ssyncset.done $0x0  }
0xad: {  	[sflag:s24] =	ssyncadd.s32 $0xFFFFFE00  }
0xae: {  	_ =	swait.ge [sflag:s24], $0x200  }
0xaf: {  	[sflag:s24] =	ssyncset.done $0x0  }
0xb0: {  	[sflag:s24] =	ssyncadd.s32 $0xFFFFFE00  }
0xb1: {  	_ =	swait.ge [sflag:s24], $0x200  }
0xb2: {  	[sflag:s24] =	ssyncset.done $0x0  }
0xb3: {  	[sflag:s24] =	ssyncadd.s32 $0xFFFFFE00  }
0xb4: {  	_ =	swait.ge [sflag:s24], $0x200  }
0xb5: {  	[sflag:s24] =	ssyncset.done $0x0  }
0xb6: {  	[sflag:s24] =	ssyncadd.s32 $0xFFFFFE00  }
0xb7: {  	_ =	swait.ge [sflag:s24], $0x200  }
0xb8: {  	[sflag:s24] =	ssyncset.done $0x0  }
0xb9: {  	[sflag:s24] =	ssyncadd.s32 $0xFFFFFE00  }
0xba: {  	_ =	swait.ge [sflag:s24], $0x200  }
0xbb: {  	[sflag:s24] =	ssyncset.done $0x0  }
0xbc: {  	[sflag:s24] =	ssyncadd.s32 $0xFFFFFE00  }
0xbd: {  	_ =	swait.ge [sflag:s24], $0x200  }
0xbe: {  	[sflag:s24] =	ssyncset.done $0x0  }
0xbf: {  	[sflag:s24] =	ssyncadd.s32 $0xFFFFFE00  }
0xc0: {  	_ =	swait.ge [sflag:s24], $0x200  }
0xc1: {  	[sflag:s24] =	ssyncset.done $0x0  }
0xc2: {  	[sflag:s24] =	ssyncadd.s32 $0xFFFFFE00  }
0xc3: {  	_ =	swait.ge [sflag:s24], $0x200  }
0xc4: {  	[sflag:s24] =	ssyncset.done $0x0  }
0xc5: {  	[sflag:s24] =	ssyncadd.s32 $0xFFFFFE00  }
0xc6: {  	_ =	swait.ge [sflag:s24], $0x200  }
0xc7: {  	[sflag:s24] =	ssyncset.done $0x0  }
0xc8: {  	[sflag:s24] =	ssyncadd.s32 $0xFFFFFE00  }
0xc9: {  	_ =	swait.ge [sflag:s24], $0x200  }
0xca: {  	[sflag:s24] =	ssyncset.done $0x0  }
0xcb: {  	[sflag:s24] =	ssyncadd.s32 $0xFFFFFE00  }
0xcc: {  	_ =	swait.ge [sflag:s4], $0x8000  }
0xcd: {  	[sflag:s4] =	ssyncset.done $0x0  }
0xce: {  	s13 =	rddreg [dreg:$0x16];
	[sflag:s4] =	ssyncadd.s32 $0xFFFF8000  }
0xcf: {  	[hbm4b:s13+s6] =	stream.linear.scatter [tilespmem:s30], [sflag:$0x6], $0x8000, $0x38;
	[tilespmem:$0x1B800] =	vst v63  }
0xd0: {  	_ =	swait.ge [sflag:s0], $0x8000  }
0xd1: {  	[sflag:s0] =	ssyncset.done $0x0  }
0xd2: {  	[sflag:s0] =	ssyncadd.s32 $0xFFFF8000  }
0xd3: {  	[tilespmem:s28], [sflag:$0x2] =	stream.indirect.gather [hbm4b:s3+s25], $0x80, s21, s25, $0xb8;
	[tilespmem:$0x1B800] =	vst v63  }
0xd4: {  	_ =	swait.ge [sflag:s29], $0x8000  }
0xd5: {  	[sflag:s29] =	ssyncset.done $0x0  }
0xd6: {  	s15 =	rddreg [dreg:$0x17];
	[sflag:s29] =	ssyncadd.s32 $0xFFFF8000  }
0xd7: {  	[hbm4b:s15+s6] =	stream.linear.scatter [tilespmem:s26], [sflag:$0x4], $0x8000, $0x38;
	[tilespmem:$0x1B800] =	vst v63  }
0xd8: {  	_ =	swait.ge [sflag:s2], $0x8000  }
0xd9: {  	[sflag:s2] =	ssyncset.done $0x0  }
0xda: {  	s16 =	simm.s32 $0x500;
	[sflag:s2] =	ssyncadd.s32 $0xFFFF8000  }
0xdb: {  	[tilespmem:s30], [sflag:$0x3] =	stream.indirect.gather [hbm4b:s3+s25], $0x80, s16, s25, $0xb8;
	[tilespmem:$0x1B800] =	vst v63  }
0xdc: {  	_ =	swait.ge [sflag:s31], $0x8000  }
0xdd: {  	[sflag:s31] =	ssyncset.done $0x0  }
0xde: {  	[sflag:s31] =	ssyncadd.s32 $0xFFFF8000  }
0xdf: {  	[hbm4b:s23+s6] =	stream.linear.scatter [tilespmem:s28], [sflag:$0x5], $0x8000, $0x38;
	[tilespmem:$0x1B800] =	vst v63  }
0xe0: {  	_ =	swait.ge [sflag:s1], $0x8000  }
0xe1: {  	[sflag:s1] =	ssyncset.done $0x0  }
0xe2: {  	[sflag:s1] =	ssyncadd.s32 $0xFFFF8000  }
0xe3: {  	[tilespmem:s26], [sflag:$0x1] =	stream.indirect.gather [hbm4b:s3+s25], $0x80, s14, s25, $0xb8;
	[tilespmem:$0x1B800] =	vst v63  }
0xe4: {  	_ =	swait.ge [sflag:s4], $0x8000  }
0xe5: {  	[sflag:s4] =	ssyncset.done $0x0  }
0xe6: {  	s17 =	rddreg [dreg:$0x18];
	[sflag:s4] =	ssyncadd.s32 $0xFFFF8000  }
0xe7: {  	[hbm4b:s17+s6] =	stream.linear.scatter [tilespmem:s30], [sflag:$0x6], $0x8000, $0x38;
	[tilespmem:$0x1B800] =	vst v63  }
0xe8: {  	s19 =	simm.s32 $0x4000;
	_ =	swait.ge [sflag:s0], $0x8000  }
0xe9: {  	s22 =	sand.u32 $0x100, s6;
	s12 =	sand.u32 $0xFC000, s19;
	[sflag:s0] =	ssyncset.done $0x0  }
0xea: {  	s18 =	simm.s32 $0x700;
	s12 =	sor.u32 s12, s22;
	[sflag:s0] =	ssyncadd.s32 $0xFFFF8000  }
0xeb: {  	[tilespmem:s28], [sflag:$0x2] =	stream.indirect.gather [hbm4b:s3+s25], $0x80, s18, s25, $0xb8;
	[tilespmem:$0x1B800] =	vst v63  }
0xec: {  	s12 =	sor.u32 s7, s12;
	_ =	swait.ge [sflag:s29], $0x8000  }
0xed: {  	s12 =	sshll.u32 s12, $0x4;
	[sflag:s29] =	ssyncset.done $0x0  }
0xee: {  	s11 =	sand.u32 $0x100, s11;
	s12 =	sadd.s32 s5, s12;
	[sflag:s29] =	ssyncadd.s32 $0xFFFF8000  }
0xef: {  	[hbm4b:s12+s6] =	stream.linear.scatter [tilespmem:s26], [sflag:$0x4], $0x8000, $0x38;
	[tilespmem:$0x1B800] =	vst v63  }
0xf0: {  	s19 =	simm.s32 $0x900;
	s16 =	simm.s32 $0x6000;
	_ =	swait.ge [sflag:s2], $0x8000  }
0xf1: {  	s13 =	simm.s32 $0x600;
	s12 =	sand.u32 $0xFC000, s16;
	[sflag:s2] =	ssyncset.done $0x0  }
0xf2: {  	s17 =	simm.s32 $0x800;
	s11 =	sor.u32 s11, s12;
	[sflag:s2] =	ssyncadd.s32 $0xFFFF8000  }
0xf3: {  	[tilespmem:s30], [sflag:$0x3] =	stream.indirect.gather [hbm4b:s3+s25], $0x80, s17, s25, $0xb8;
	[tilespmem:$0x1B800] =	vst v63  }
0xf4: {  	s15 =	simm.s32 $0x14000;
	s11 =	sor.u32 s7, s11;
	_ =	swait.ge [sflag:s31], $0x8000  }
0xf5: {  	s18 =	simm.s32 $0xA000;
	s11 =	sshll.u32 s11, $0x4;
	[sflag:s31] =	ssyncset.done $0x0  }
0xf6: {  	s16 =	simm.s32 $0x8000;
	s11 =	sadd.s32 s5, s11;
	[sflag:s31] =	ssyncadd.s32 $0xFFFF8000  }
0xf7: {  	[hbm4b:s11+s6] =	stream.linear.scatter [tilespmem:s28], [sflag:$0x5], $0x8000, $0x38;
	[tilespmem:$0x1B800] =	vst v63  }
0xf8: {  	s12 =	simm.s32 $0xE000;
	s16 =	sand.u32 $0xFC000, s16;
	_ =	swait.ge [sflag:s1], $0x8000  }
0xf9: {  	s14 =	sor.u32 s16, s22;
	s16 =	sand.u32 $0xFC000, s18;
	[sflag:s1] =	ssyncset.done $0x0  }
0xfa: {  	s22 =	sor.u32 s7, s14;
	s14 =	simm.s32 $0x200;
	[sflag:s1] =	ssyncadd.s32 $0xFFFF8000  }
0xfb: {  	[tilespmem:s26], [sflag:$0x1] =	stream.indirect.gather [hbm4b:s3+s25], $0x80, s19, s25, $0xb8;
	[tilespmem:$0x1B800] =	vst v63  }
0xfc: {  	s17 =	simm.s32 $0x100;
	s11 =	simm.s32 $0xD00;
	_ =	swait.ge [sflag:s4], $0x8000  }
0xfd: {  	s19 =	sand.u32 $0x100, s17;
	s17 =	sshll.u32 s22, $0x4;
	[sflag:s4] =	ssyncset.done $0x0  }
.LBB2_2:
0xfe: {  	s16 =	sor.u32 s16, s19;
	[sflag:s4] =	ssyncadd.s32 $0xFFFF8000  }
0xff: {  	s17 =	sadd.s32 s5, s17;
	s18 =	smov.u32 s12;
	s12 =	smov.u32 s15  }
0x100: {  	[hbm4b:s17+s6] =	stream.linear.scatter [tilespmem:s30], [sflag:$0x6], $0x8000, $0x38;
	[tilespmem:$0x1B800] =	vst v63  }
0x101: {  	s22 =	sadd.s32 $0x6000, s15;
	s16 =	sor.u32 s7, s16;
	_ =	swait.ge [sflag:s0], $0x8000  }
0x102: {  	p0 =	sne.s32 s15, $0x62000;
	s15 =	sshll.u32 s16, $0x4;
	[sflag:s0] =	ssyncset.done $0x0  }
0x103: {  	[sflag:s0] =	ssyncadd.s32 $0xFFFF8000  }
0x104: {  	[tilespmem:s28], [sflag:$0x2] =	stream.indirect.gather [hbm4b:s3+s25], $0x80, s10, s25, $0xb8;
	[tilespmem:$0x1B800] =	vst v63  }
0x105: {  	s10 =	smov.u32 s11;
	_ =	swait.ge [sflag:s29], $0x8000  }
0x106: {  	s15 =	sadd.s32 s5, s15;
	[sflag:s29] =	ssyncset.done $0x0  }
0x107: {  	[sflag:s29] =	ssyncadd.s32 $0xFFFF8000  }
0x108: {  	[hbm4b:s15+s6] =	stream.linear.scatter [tilespmem:s26], [sflag:$0x4], $0x8000, $0x38;
	[tilespmem:$0x1B800] =	vst v63  }
0x109: {  	s16 =	sadd.s32 $0xFFFFE000, s18;
	s15 =	sand.u32 $0x100, s13;
	_ =	swait.ge [sflag:s2], $0x8000  }
0x10a: {  	s17 =	sadd.s32 $0xFFFFFE00, s11;
	s16 =	sand.u32 $0xFC000, s16;
	[sflag:s2] =	ssyncset.done $0x0  }
0x10b: {  	s15 =	sor.u32 s15, s16;
	[sflag:s2] =	ssyncadd.s32 $0xFFFF8000  }
0x10c: {  	[tilespmem:s30], [sflag:$0x3] =	stream.indirect.gather [hbm4b:s3+s25], $0x80, s17, s25, $0xb8;
	[tilespmem:$0x1B800] =	vst v63  }
0x10d: {  	s15 =	sor.u32 s7, s15;
	_ =	swait.ge [sflag:s31], $0x8000  }
0x10e: {  	s15 =	sshll.u32 s15, $0x4;
	[sflag:s31] =	ssyncset.done $0x0  }
0x10f: {  	s15 =	sadd.s32 s5, s15;
	[sflag:s31] =	ssyncadd.s32 $0xFFFF8000  }
0x110: {  	[hbm4b:s15+s6] =	stream.linear.scatter [tilespmem:s28], [sflag:$0x5], $0x8000, $0x38;
	[tilespmem:$0x1B800] =	vst v63  }
0x111: {  	_ =	swait.ge [sflag:s1], $0x8000  }
0x112: {  	s11 =	sadd.s32 $0x300, s11;
	s13 =	sadd.s32 $0x300, s13;
	[sflag:s1] =	ssyncset.done $0x0  }
0x113: {  	s16 =	sand.u32 $0xFC000, s18;
	s15 =	sadd.s32 $0xFFFFFF00, s10;
	[sflag:s1] =	ssyncadd.s32 $0xFFFF8000  }
0x114: {  	[tilespmem:s26], [sflag:$0x1] =	stream.indirect.gather [hbm4b:s3+s25], $0x80, s15, s25, $0xb8;
	[tilespmem:$0x1B800] =	vst v63  }
.Ltmp0:
0x115: {  	_ = 	snop;
	(pc) =	sbr.rel @p0 .LBB2_2-.Ltmp0, $4  }
0x116: {  	s15 =	sor.u32 s16, s19  }
0x117: {  	s19 =	sand.u32 $0x100, s14;
	s16 =	sadd.s32 $0xFFFFC000, s12;
	_ =	swait.ge [sflag:s4], $0x8000  }
0x118: {  	s14 =	sadd.s32 $0x100, s14;
	s15 =	sor.u32 s7, s15;
	[sflag:s4] =	ssyncset.done $0x0  }
0x119: {  	s16 =	sand.u32 $0xFC000, s16;
	s17 =	sshll.u32 s15, $0x4;
	s15 =	smov.u32 s22  }
0x11a: {  	[sflag:s4] =	ssyncadd.s32 $0xFFFF8000;
	s14 =	sadd.s32 s5, s17  }
0x11b: {  	[hbm4b:s14+s6] =	stream.linear.scatter [tilespmem:s30], [sflag:$0x6], $0x8000, $0x38;
	[tilespmem:$0x1B800] =	vst v63  }
0x11c: {  	_ =	swait.ge [sflag:s0], $0x8000  }
0x11d: {  	[sflag:s0] =	ssyncset.done $0x0  }
0x11e: {  	s16 =	sor.u32 s16, s19;
	[sflag:s0] =	ssyncadd.s32 $0xFFFF8000  }
0x11f: {  	[tilespmem:s28], [sflag:$0x2] =	stream.indirect.gather [hbm4b:s3+s25], $0x80, s10, s25, $0xb8;
	[tilespmem:$0x1B800] =	vst v63  }
0x120: {  	s17 =	sor.u32 s7, s16;
	_ =	swait.ge [sflag:s29], $0x8000  }
0x121: {  	s10 =	sshll.u32 s17, $0x4;
	[sflag:s29] =	ssyncset.done $0x0  }
0x122: {  	s10 =	sadd.s32 s5, s10;
	[sflag:s29] =	ssyncadd.s32 $0xFFFF8000  }
0x123: {  	[hbm4b:s10+s6] =	stream.linear.scatter [tilespmem:s26], [sflag:$0x4], $0x8000, $0x38;
	[tilespmem:$0x1B800] =	vst v63  }
0x124: {  	s18 =	sadd.s32 $0xFFFFE000, s12;
	_ =	swait.ge [sflag:s2], $0x8000  }
0x125: {  	s13 =	sand.u32 $0x100, s13;
	s10 =	sand.u32 $0xFC000, s18;
	[sflag:s2] =	ssyncset.done $0x0  }
0x126: {  	s22 =	sadd.s32 $0xFFFFFE00, s11;
	s10 =	sor.u32 s13, s10;
	[sflag:s2] =	ssyncadd.s32 $0xFFFF8000  }
0x127: {  	[tilespmem:s30], [sflag:$0x3] =	stream.indirect.gather [hbm4b:s3+s25], $0x80, s22, s25, $0xb8;
	[tilespmem:$0x1B800] =	vst v63  }
0x128: {  	s10 =	sor.u32 s7, s10;
	_ =	swait.ge [sflag:s31], $0x8000  }
0x129: {  	s10 =	sshll.u32 s10, $0x4;
	[sflag:s31] =	ssyncset.done $0x0  }
0x12a: {  	s10 =	sadd.s32 s5, s10;
	[sflag:s31] =	ssyncadd.s32 $0xFFFF8000  }
0x12b: {  	[hbm4b:s10+s6] =	stream.linear.scatter [tilespmem:s28], [sflag:$0x5], $0x8000, $0x38;
	[tilespmem:$0x1B800] =	vst v63  }
0x12c: {  	_ =	swait.ge [sflag:s1], $0x8000  }
0x12d: {  	s16 =	sand.u32 $0xFC000, s12;
	[sflag:s1] =	ssyncset.done $0x0  }
0x12e: {  	s15 =	sadd.s32 $0xFFFFFF00, s11;
	s17 =	sor.u32 s16, s19;
	[sflag:s1] =	ssyncadd.s32 $0xFFFF8000  }
0x12f: {  	[tilespmem:s26], [sflag:$0x1] =	stream.indirect.gather [hbm4b:s3+s25], $0x80, s15, s25, $0xb8;
	[tilespmem:$0x1B800] =	vst v63  }
0x130: {  	s10 =	sor.u32 s7, s17;
	_ =	swait.ge [sflag:s4], $0x8000  }
0x131: {  	s10 =	sshll.u32 s10, $0x4;
	[sflag:s4] =	ssyncset.done $0x0  }
0x132: {  	s10 =	sadd.s32 s5, s10;
	[sflag:s4] =	ssyncadd.s32 $0xFFFF8000  }
0x133: {  	[hbm4b:s10+s6] =	stream.linear.scatter [tilespmem:s30], [sflag:$0x6], $0x8000, $0x38;
	[tilespmem:$0x1B800] =	vst v63  }
0x134: {  	_ =	swait.ge [sflag:s0], $0x8000  }
0x135: {  	[sflag:s0] =	ssyncset.done $0x0  }
0x136: {  	[sflag:s0] =	ssyncadd.s32 $0xFFFF8000  }
0x137: {  	[tilespmem:s28], [sflag:$0x2] =	stream.indirect.gather [hbm4b:s3+s25], $0x80, s11, s25, $0xb8;
	[tilespmem:$0x1B800] =	vst v63  }
0x138: {  	_ =	swait.ge [sflag:s29], $0x8000  }
0x139: {  	s18 =	sld [smem:$0x7FC]  }
0x13a: {  	[sflag:s29] =	ssyncset.done $0x0  }
0x13b: {  	[sflag:s29] =	ssyncadd.s32 $0xFFFF8000  }
0x13c: {  	[hbm4b:s18+s6] =	stream.linear.scatter [tilespmem:s26], [sflag:$0x4], $0x8000, $0x38;
	[tilespmem:$0x1B800] =	vst v63  }
0x13d: {  	_ =	swait.ge [sflag:s2], $0x8000  }
0x13e: {  	[sflag:s2] =	ssyncset.done $0x0  }
0x13f: {  	[sflag:s2] =	ssyncadd.s32 $0xFFFF8000  }
0x140: {  	_ =	swait.ge [sflag:s31], $0x8000  }
0x141: {  	s19 =	sld [smem:$0x7FD]  }
0x142: {  	[sflag:s31] =	ssyncset.done $0x0  }
0x143: {  	[sflag:s31] =	ssyncadd.s32 $0xFFFF8000  }
0x144: {  	[hbm4b:s19+s6] =	stream.linear.scatter [tilespmem:s28], [sflag:$0x5], $0x8000, $0x38;
	[tilespmem:$0x1B800] =	vst v63  }
0x145: {  	_ =	swait.ge [sflag:s1], $0x8000  }
0x146: {  	[sflag:s1] =	ssyncset.done $0x0  }
0x147: {  	[sflag:s1] =	ssyncadd.s32 $0xFFFF8000  }
0x148: {  	_ =	swait.ge [sflag:s0], $0x8000  }
0x149: {  	s8 =	sadd.s32 $0x1, s8;
	s22 =	rddreg [dreg:$0x19]  }
0x14a: {  	p0 =	sne.s32 s8, s22  }
.Ltmp1:
0x14b: {  	_ = 	snop;
	(pc) =	sbr.rel @p0 .LBB2_1-.Ltmp1, $3  }
0x14c: {  	_ =	sdelay $0x1  }
0x14d: {  	[sflag:s0] =	ssyncset.done $0x0  }
0x14e: {  	[sflag:s0] =	ssyncadd.s32 $0xFFFF8000  }
0x14f: {  	_ =	sfence.sel $0x180000  }
0x150: {  	[bflag:$0x0] =	sbarrier.arrive $0xFFFF  }
0x151: {  	_ =	strace $0x90000047  }
0x152: {  	s0 =	stileid.u32;
	[bflag:$0x2] =	sbarrier.arrive $0xFFFF  }
0x153: {  	p0 =	sne.s32 s0, $0x0;
	s0 =	rddreg [dreg:$0x9]  }
0x154: {  	s0 =	sadd.s32 @!p0 $0x100000, s0  }
0x155: {  	[sflag:s0] =	ssyncadd.tile.s32 @!p0 $0x1;
	_ =	shalt  }
.Lfunc_end2:
_tile_overlayer_lowered:
.L_overlay_start_2:
0x156: {  	(tag) =	ssettag $0x2  }
0x157: {  	s0 =	rddreg [dreg:$0x0];
	s2 =	stileid.u32  }
0x158: {  	s1 =	rddreg [dreg:$0x1];
	p0 =	sne.s32 s2, $0x0  }
0x159: {  	s3 =	rddreg [dreg:$0x2];
	[bflag:$0x3] =	sbarrier.arrive $0xFFFF;
	s2 =	simm.s32 @!p0 $0x1C08  }
0x15a: {  	[timem:s3], [sflag:s2] =	dma.local @!p0 [hbm:s0], s1  }
0x15b: {  	s0 =	simm.s32 @!p0 $0x8  }
0x15c: {  	_ =	swait.ge @!p0 [sflag:s0], s1  }
0x15d: {  	s1 =	ssub.s32 @!p0 $0x0, s1;
	[sflag:s0] =	ssyncset.done @!p0 $0x0  }
0x15e: {  	[sflag:s0] =	ssyncadd.s32 @!p0 s1  }
0x15f: {  	[bflag:$0x3] =	sbarrier.arrive $0xFFFF  }
0x160: {  	_ =	shalt  }

</sc_bundles>
